<compile_context>
chip_gen: v7x
topology: tpu7x:2x2x1
jax: 0.10.2.dev20260603
libtpu: 0.0.44.dev20260713+nightly
codegen_flags: <defaults>
</compile_context>

<pallas_src>
import functools

import jax
import jax.numpy as jnp
from jax import lax
from jax.experimental import pallas as pl
from jax.experimental.pallas import tpu as pltpu
from jax.experimental.pallas import tpu_sc as plsc

N_NODES = 10000
N_HEDGES = 10000
NNZ = 320000
D = 128
STAR = 64
NEG_SLOPE = 0.2

N_PAD = 10240
WAUG = 144
BLK = 1000
NB = N_NODES // BLK

NCORES = 2
NSUB = 16
NW = NCORES * NSUB
CH = 88
K_CH = 114
PER_W = K_CH * CH
NNZ_PAD = NW * PER_W
ROWS_PER_TILE = N_PAD // NSUB


def _tc1_body(x_ref, wv_ref, bv_ref, aw_ref, g_ref):
    x = x_ref[...]
    xf = lax.dot_general(x, wv_ref[...], (((1,), (1,)), ((), ()))) + bv_ref[...]
    a = lax.dot_general(xf, aw_ref[...], (((1,), (1,)), ((), ())))
    att = jnp.where(a >= 0, a, NEG_SLOPE * a)
    p = jnp.exp(att)
    g_ref[...] = jnp.concatenate(
        [xf * p, p, jnp.zeros((x.shape[0], WAUG - D - 1), jnp.float32)], axis=1)


_tc1 = pl.pallas_call(
    _tc1_body,
    grid=(NB,),
    in_specs=[
        pl.BlockSpec((BLK, D), lambda j: (j, 0)),
        pl.BlockSpec((D, D), lambda j: (0, 0)),
        pl.BlockSpec((1, D), lambda j: (0, 0)),
        pl.BlockSpec((1, D), lambda j: (0, 0)),
    ],
    out_specs=pl.BlockSpec((BLK, WAUG), lambda j: (j, 0)),
    out_shape=jax.ShapeDtypeStruct((N_PAD, WAUG), jnp.float32),
)


def _tc2_body(acc_ref, s_ref, tw_ref, tb_ref, out_ref):
    r = acc_ref[0] + acc_ref[1]
    den = jnp.maximum(r[:, D:D + 1], 1e-30)
    yv = r[:, :D] / den
    yv = jnp.where(yv > 0, yv, jnp.exp(jnp.minimum(yv, 0.0)) - 1.0)
    e_msg = jnp.concatenate([yv, s_ref[...]], axis=1)
    y = lax.dot_general(e_msg, tw_ref[...], (((1,), (1,)), ((), ()))) + tb_ref[...]
    out_ref[...] = jnp.concatenate(
        [y, jnp.ones((y.shape[0], 1), jnp.float32),
         jnp.zeros((y.shape[0], WAUG - D - 1), jnp.float32)], axis=1)


_tc2 = pl.pallas_call(
    _tc2_body,
    grid=(NB,),
    in_specs=[
        pl.BlockSpec((2, BLK, WAUG), lambda j: (0, j, 0)),
        pl.BlockSpec((BLK, STAR), lambda j: (j, 0)),
        pl.BlockSpec((D, D + STAR), lambda j: (0, 0)),
        pl.BlockSpec((1, D), lambda j: (0, 0)),
    ],
    out_specs=pl.BlockSpec((BLK, WAUG), lambda j: (j, 0)),
    out_shape=jax.ShapeDtypeStruct((N_PAD, WAUG), jnp.float32),
)


def _tc3_body(acc_ref, x_ref, wx_ref, bx_ref, out_ref):
    r = acc_ref[0] + acc_ref[1]
    cnt = jnp.maximum(r[:, D:D + 1], 1.0)
    m = r[:, :D] / cnt
    m = jnp.where(m > 0, m, jnp.exp(jnp.minimum(m, 0.0)) - 1.0)
    xinit = lax.dot_general(x_ref[...], wx_ref[...],
                            (((1,), (1,)), ((), ()))) + bx_ref[...]
    out_ref[...] = m + xinit


_tc3 = pl.pallas_call(
    _tc3_body,
    grid=(NB,),
    in_specs=[
        pl.BlockSpec((2, BLK, WAUG), lambda j: (0, j, 0)),
        pl.BlockSpec((BLK, D), lambda j: (j, 0)),
        pl.BlockSpec((D, D), lambda j: (0, 0)),
        pl.BlockSpec((1, D), lambda j: (0, 0)),
    ],
    out_specs=pl.BlockSpec((BLK, D), lambda j: (j, 0)),
    out_shape=jax.ShapeDtypeStruct((N_NODES, D), jnp.float32),
)


@functools.partial(
    pl.kernel,
    out_type=jax.ShapeDtypeStruct((NCORES, N_PAD, WAUG), jnp.float32),
    mesh=plsc.VectorSubcoreMesh(core_axis_name="c", subcore_axis_name="s"),
    scratch_types=[
        pltpu.VMEM((2, CH), jnp.int32),
        pltpu.VMEM((2, CH), jnp.int32),
        pltpu.VMEM((2, CH), jnp.int32),
        pltpu.VMEM((CH, WAUG), jnp.float32),
        pltpu.VMEM((CH, WAUG), jnp.float32),
        pltpu.VMEM((CH, WAUG), jnp.float32),
        pltpu.VMEM_SHARED((N_PAD, WAUG), jnp.float32),
        pltpu.SemaphoreType.DMA,
        pltpu.SemaphoreType.DMA,
        pltpu.SemaphoreType.DMA,
        pltpu.SemaphoreType.DMA,
        pltpu.SemaphoreType.DMA,
        pltpu.SemaphoreType.DMA,
    ],
    compiler_params=pltpu.CompilerParams(use_tc_tiling_on_sc=False),
)
def _sc_segsum(rows_hbm, idx_hbm, zrows_hbm, out_hbm,
               ibuf0, ibuf1, ibuf2, rbuf0, rbuf1, rbuf2, acc,
               semi0, semi1, semi2, semg0, semg1, semg2):
    c = lax.axis_index("c")
    s = lax.axis_index("s")
    wid = c * NSUB + s

    pltpu.sync_copy(idx_hbm.at[wid, 0], ibuf0)
    pltpu.async_copy(rows_hbm.at[ibuf0.at[0]], rbuf0, semg0)
    pltpu.async_copy(idx_hbm.at[wid, 1], ibuf1, semi1)

    pltpu.sync_copy(zrows_hbm, acc.at[pl.ds(s * ROWS_PER_TILE, ROWS_PER_TILE)])
    plsc.subcore_barrier()


    def body(j, carry):
        k0 = 3 * j
        k1 = k0 + 1
        k2 = k0 + 2
        pltpu.make_async_copy(idx_hbm.at[wid, k1], ibuf1, semi1).wait()
        pltpu.async_copy(rows_hbm.at[ibuf1.at[0]], rbuf1, semg1)
        pltpu.async_copy(idx_hbm.at[wid, k2], ibuf2, semi2)

        pltpu.make_async_copy(rows_hbm.at[ibuf0.at[0]], rbuf0, semg0).wait()
        pltpu.sync_copy(rbuf0, acc.at[ibuf0.at[1]], add=True)

        @pl.when(k0 + 3 < K_CH)
        def _():
            pltpu.async_copy(idx_hbm.at[wid, k0 + 3], ibuf0, semi0)

        pltpu.make_async_copy(idx_hbm.at[wid, k2], ibuf2, semi2).wait()
        pltpu.async_copy(rows_hbm.at[ibuf2.at[0]], rbuf2, semg2)

        pltpu.make_async_copy(rows_hbm.at[ibuf1.at[0]], rbuf1, semg1).wait()
        pltpu.sync_copy(rbuf1, acc.at[ibuf1.at[1]], add=True)

        @pl.when(k0 + 3 < K_CH)
        def _():
            pltpu.make_async_copy(idx_hbm.at[wid, k0 + 3], ibuf0, semi0).wait()
            pltpu.async_copy(rows_hbm.at[ibuf0.at[0]], rbuf0, semg0)

        pltpu.make_async_copy(rows_hbm.at[ibuf2.at[0]], rbuf2, semg2).wait()
        pltpu.sync_copy(rbuf2, acc.at[ibuf2.at[1]], add=True)

        @pl.when(k1 + 3 < K_CH)
        def _():
            pltpu.async_copy(idx_hbm.at[wid, k1 + 3], ibuf1, semi1)

        return carry

    lax.fori_loop(0, K_CH // 3, body, 0)
    plsc.subcore_barrier()

    pltpu.sync_copy(acc.at[pl.ds(s * ROWS_PER_TILE, ROWS_PER_TILE)],
                    out_hbm.at[c, pl.ds(s * ROWS_PER_TILE, ROWS_PER_TILE)])


def kernel(X, hyperedge_index, S_features, W_x_w, W_x_b, W_vertex_w,
           W_vertex_b, atten_vertex_w, theta_w, theta_b):
    V = hyperedge_index[0]
    E = hyperedge_index[1]

    pad = N_NODES + (jnp.arange(NNZ_PAD - NNZ, dtype=jnp.int32)
                     % (N_PAD - N_NODES))
    Vp = jnp.concatenate([V, pad]).reshape(NW, K_CH, 1, CH)
    Ep = jnp.concatenate([E, pad]).reshape(NW, K_CH, 1, CH)
    VE = jnp.concatenate([Vp, Ep], axis=2)
    EV = jnp.concatenate([Ep, Vp], axis=2)

    zrows = jnp.zeros((ROWS_PER_TILE, WAUG), jnp.float32)

    bx = W_x_b.reshape(1, D)
    bv = W_vertex_b.reshape(1, D)
    tb = theta_b.reshape(1, D)

    G = _tc1(X, W_vertex_w, bv, atten_vertex_w)
    acc1 = _sc_segsum(G, VE, zrows)
    G2 = _tc2(acc1, S_features, theta_w, tb)
    acc2 = _sc_segsum(G2, EV, zrows)
    return _tc3(acc2, X, W_x_w, bx)

# --- scband reference (transcript-rebuilt; emitter-appended) ---
"""Pipeline reference for scband-dphgnn-67619965108630 (READ-ONLY COPY).

The authoritative reference and input builder live on the scoring server;
editing this copy changes nothing except your own understanding.
"""

import jax, jax.numpy as jnp
import numpy as np

N_NODES = 10000
N_HEDGES = 10000
NNZ = 320000
D_IN = 128
D_OUT = 128
STAR = 64
NEG_SLOPE = 0.2


def setup_inputs(seed: int = 0) -> dict:
    key = jax.random.key(seed)
    ks = jax.random.split(key, 10)
    X = jax.random.normal(ks[0], (N_NODES, D_IN), dtype=jnp.float32)
    hyperedge_index = jax.random.randint(ks[1], (2, NNZ), 0, N_NODES, dtype=jnp.int32)
    S_features = jax.random.normal(ks[2], (N_HEDGES, STAR), dtype=jnp.float32)
    W_x_w = jax.random.normal(ks[3], (D_OUT, D_IN), dtype=jnp.float32) * 0.05
    W_x_b = jax.random.normal(ks[4], (D_OUT,), dtype=jnp.float32) * 0.05
    W_vertex_w = jax.random.normal(ks[5], (D_OUT, D_IN), dtype=jnp.float32) * 0.05
    W_vertex_b = jax.random.normal(ks[6], (D_OUT,), dtype=jnp.float32) * 0.05
    atten_vertex_w = jax.random.normal(ks[7], (1, D_OUT), dtype=jnp.float32) * 0.05
    theta_w = jax.random.normal(ks[8], (D_OUT, D_OUT + STAR), dtype=jnp.float32) * 0.05
    theta_b = jax.random.normal(ks[9], (D_OUT,), dtype=jnp.float32) * 0.05
    return {
        'X': X,
        'hyperedge_index': hyperedge_index,
        'S_features': S_features,
        'W_x_w': W_x_w,
        'W_x_b': W_x_b,
        'W_vertex_w': W_vertex_w,
        'W_vertex_b': W_vertex_b,
        'atten_vertex_w': atten_vertex_w,
        'theta_w': theta_w,
        'theta_b': theta_b,
    }


def reference(X, hyperedge_index, S_features, W_x_w, W_x_b, W_vertex_w, W_vertex_b,
              atten_vertex_w, theta_w, theta_b):
    # DPHGNNConv.forward, eval mode (dropout is a no-op), is_last=False
    V = hyperedge_index[0]
    E = hyperedge_index[1]
    X_init = X @ W_x_w.T + W_x_b
    X_feat = X @ W_vertex_w.T + W_vertex_b
    x_for_vertex = X_feat @ atten_vertex_w.T  # [N, 1]
    v2e_atten = jax.nn.leaky_relu(x_for_vertex[V], NEG_SLOPE)[:, 0]  # [NNZ]
    # scatter_softmax over hyperedge groups E
    seg_max = jax.ops.segment_max(v2e_atten, E, num_segments=N_HEDGES)
    ex = jnp.exp(v2e_atten - seg_max[E])
    seg_sum = jax.ops.segment_sum(ex, E, num_segments=N_HEDGES)
    softmax_weight = ex / seg_sum[E]
    Xev = X_feat[V] * softmax_weight[:, None]
    Y_v2e = jax.ops.segment_sum(Xev, E, num_segments=N_HEDGES)
    Y_v2e = jax.nn.elu(Y_v2e)
    e_msg = jnp.concatenate([Y_v2e, S_features], axis=1)
    Y = e_msg @ theta_w.T + theta_b
    Yev = Y[E]
    ssum = jax.ops.segment_sum(Yev, V, num_segments=N_NODES)
    cnt = jax.ops.segment_sum(jnp.ones((NNZ,), dtype=jnp.float32), V, num_segments=N_NODES)
    X_out = ssum / jnp.maximum(cnt, 1.0)[:, None]  # scatter_mean
    X_out = jax.nn.elu(X_out)
    return X_out + X_init

if __name__ == "__main__":
    import jax
    _d = setup_inputs()
    print(jax.jit(kernel)(*tuple(_d.values())))

</pallas_src>

<mosaic_0001>
#map = affine_map<(d0, d1) -> (0, 0)>
#map1 = affine_map<(d0, d1) -> (0, 0, 0, 0)>
#map2 = affine_map<(d0, d1) -> (0, 0, 0)>
module attributes {stable_mosaic.version = 14 : i64} {
  func.func @_sc_segsum(%arg0: i32, %arg1: i32, %arg2: memref<10240x144xf32, #tpu.memory_space<hbm>>, %arg3: memref<32x114x2x88xi32, #tpu.memory_space<hbm>>, %arg4: memref<640x144xf32, #tpu.memory_space<hbm>>, %arg5: memref<2x10240x144xf32, #tpu.memory_space<hbm>>, %arg6: memref<2x88xi32, #tpu.memory_space<vmem>>, %arg7: memref<2x88xi32, #tpu.memory_space<vmem>>, %arg8: memref<2x88xi32, #tpu.memory_space<vmem>>, %arg9: memref<88x144xf32, #tpu.memory_space<vmem>>, %arg10: memref<88x144xf32, #tpu.memory_space<vmem>>, %arg11: memref<88x144xf32, #tpu.memory_space<vmem>>, %arg12: memref<10240x144xf32, #tpu.memory_space<vmem_shared>>, %arg13: memref<!tpu.dma_semaphore, #tpu.memory_space<semaphore_mem>>, %arg14: memref<!tpu.dma_semaphore, #tpu.memory_space<semaphore_mem>>, %arg15: memref<!tpu.dma_semaphore, #tpu.memory_space<semaphore_mem>>, %arg16: memref<!tpu.dma_semaphore, #tpu.memory_space<semaphore_mem>>, %arg17: memref<!tpu.dma_semaphore, #tpu.memory_space<semaphore_mem>>, %arg18: memref<!tpu.dma_semaphore, #tpu.memory_space<semaphore_mem>>) attributes {dimension_semantics = [#tpu.dimension_semantics<core_parallel>, #tpu.dimension_semantics<subcore_parallel>], iteration_bounds = array<i64: 2, 16>, scalar_prefetch = 0 : i64, scratch_operands = 13 : i64, tpu.core_type = #tpu.core_type<sc_vector_subcore>, window_params = [{transform_indices = #map}, {transform_indices = #map1}, {transform_indices = #map}, {transform_indices = #map2}]} {
    %mul3A = arith.constant 16 : i32
    %mul3A_0 = arith.muli %arg0, %mul3A : i32
    %add3A = arith.addi %mul3A_0, %arg1 : i32
    %run_scoped3A = arith.constant 0 : i32
    "tpu.region"() ({
      %run_scoped3A_28 = tpu.sem_alloc : memref<!tpu.dma_semaphore, #tpu.memory_space<semaphore_mem>>
      %dma_start3A_29 = arith.constant 0 : i32
      %dma_start3A_30 = arith.constant 0 : i32
      %dma_start3A_31 = tpu.memref_slice %arg3[%add3A, %run_scoped3A, %dma_start3A_29, %dma_start3A_30] : memref<32x114x2x88xi32, #tpu.memory_space<hbm>> -> memref<1x1x2x88xi32, #tpu.memory_space<hbm>>
      %dma_start3A_32 = tpu.memref_squeeze %dma_start3A_31 : memref<1x1x2x88xi32, #tpu.memory_space<hbm>> -> memref<2x88xi32, #tpu.memory_space<hbm>>
      %dma_start3A_33 = arith.constant 0 : i32
      %dma_start3A_34 = arith.constant 0 : i32
      %dma_start3A_35 = tpu.memref_slice %arg3[%add3A, %run_scoped3A, %dma_start3A_33, %dma_start3A_34] : memref<32x114x2x88xi32, #tpu.memory_space<hbm>> -> memref<1x1x2x88xi32, #tpu.memory_space<hbm>>
      %dma_start3A_36 = tpu.memref_squeeze %dma_start3A_35 : memref<1x1x2x88xi32, #tpu.memory_space<hbm>> -> memref<2x88xi32, #tpu.memory_space<hbm>>
      tpu.enqueue_dma source(%dma_start3A_36 : memref<2x88xi32, #tpu.memory_space<hbm>>) target(%arg6 : memref<2x88xi32, #tpu.memory_space<vmem>>) target_semaphore(%run_scoped3A_28 : memref<!tpu.dma_semaphore, #tpu.memory_space<semaphore_mem>>)
      %dma_wait3A = arith.constant 0 : i32
      %dma_wait3A_37 = arith.constant 0 : i32
      %dma_wait3A_38 = tpu.memref_slice %arg3[%add3A, %run_scoped3A, %dma_wait3A, %dma_wait3A_37] : memref<32x114x2x88xi32, #tpu.memory_space<hbm>> -> memref<1x1x2x88xi32, #tpu.memory_space<hbm>>
      %dma_wait3A_39 = tpu.memref_squeeze %dma_wait3A_38 : memref<1x1x2x88xi32, #tpu.memory_space<hbm>> -> memref<2x88xi32, #tpu.memory_space<hbm>>
      %dma_wait3A_40 = arith.constant 0 : i32
      %dma_wait3A_41 = arith.constant 0 : i32
      %dma_wait3A_42 = tpu.memref_slice %arg3[%add3A, %run_scoped3A, %dma_wait3A_40, %dma_wait3A_41] : memref<32x114x2x88xi32, #tpu.memory_space<hbm>> -> memref<1x1x2x88xi32, #tpu.memory_space<hbm>>
      %dma_wait3A_43 = tpu.memref_squeeze %dma_wait3A_42 : memref<1x1x2x88xi32, #tpu.memory_space<hbm>> -> memref<2x88xi32, #tpu.memory_space<hbm>>
      tpu.wait_dma2 semaphore(%run_scoped3A_28 : memref<!tpu.dma_semaphore, #tpu.memory_space<semaphore_mem>>) src(%dma_wait3A_43 : memref<2x88xi32, #tpu.memory_space<hbm>>) dst(%arg6 : memref<2x88xi32, #tpu.memory_space<vmem>>)
      tpu.yield
    }) : () -> ()
    %dma_start3A = arith.constant 0 : i32
    %dma_start3A_1 = arith.constant 0 : i32
    %dma_start3A_2 = tpu.memref_slice %arg6[%dma_start3A, %dma_start3A_1] : memref<2x88xi32, #tpu.memory_space<vmem>> -> memref<1x88xi32, #tpu.memory_space<vmem>>
    %dma_start3A_3 = tpu.memref_squeeze %dma_start3A_2 : memref<1x88xi32, #tpu.memory_space<vmem>> -> memref<88xi32, #tpu.memory_space<vmem>>
    %dma_start3A_4 = arith.constant 0 : i32
    %dma_start3A_5 = arith.constant 0 : i32
    %dma_start3A_6 = tpu.memref_slice %arg2[%dma_start3A_4, %dma_start3A_5] : memref<10240x144xf32, #tpu.memory_space<hbm>> -> memref<10240x144xf32, #tpu.memory_space<hbm>>
    tpu.enqueue_indirect_dma source(%dma_start3A_6 : memref<10240x144xf32, #tpu.memory_space<hbm>>) target(%arg9 : memref<88x144xf32, #tpu.memory_space<vmem>>) offsets(%dma_start3A_3 : memref<88xi32, #tpu.memory_space<vmem>>) semaphore(%arg16 : memref<!tpu.dma_semaphore, #tpu.memory_space<semaphore_mem>>)
    %dma_start3A_7 = arith.constant 1 : i32
    %dma_start3A_8 = arith.constant 0 : i32
    %dma_start3A_9 = arith.constant 0 : i32
    %dma_start3A_10 = tpu.memref_slice %arg3[%add3A, %dma_start3A_7, %dma_start3A_8, %dma_start3A_9] : memref<32x114x2x88xi32, #tpu.memory_space<hbm>> -> memref<1x1x2x88xi32, #tpu.memory_space<hbm>>
    %dma_start3A_11 = tpu.memref_squeeze %dma_start3A_10 : memref<1x1x2x88xi32, #tpu.memory_space<hbm>> -> memref<2x88xi32, #tpu.memory_space<hbm>>
    %dma_start3A_12 = arith.constant 0 : i32
    %dma_start3A_13 = arith.constant 0 : i32
    %dma_start3A_14 = tpu.memref_slice %arg3[%add3A, %dma_start3A_7, %dma_start3A_12, %dma_start3A_13] : memref<32x114x2x88xi32, #tpu.memory_space<hbm>> -> memref<1x1x2x88xi32, #tpu.memory_space<hbm>>
    %dma_start3A_15 = tpu.memref_squeeze %dma_start3A_14 : memref<1x1x2x88xi32, #tpu.memory_space<hbm>> -> memref<2x88xi32, #tpu.memory_space<hbm>>
    tpu.enqueue_dma source(%dma_start3A_15 : memref<2x88xi32, #tpu.memory_space<hbm>>) target(%arg7 : memref<2x88xi32, #tpu.memory_space<vmem>>) target_semaphore(%arg14 : memref<!tpu.dma_semaphore, #tpu.memory_space<semaphore_mem>>)
    %mul3A_16 = arith.constant 640 : i32
    %mul3A_17 = arith.muli %arg1, %mul3A_16 : i32
    "tpu.region"() ({
      %run_scoped3A_28 = tpu.sem_alloc : memref<!tpu.dma_semaphore, #tpu.memory_space<semaphore_mem>>
      %dma_start3A_29 = arith.constant 0 : i32
      %dma_start3A_30 = tpu.memref_slice %arg12[%mul3A_17, %dma_start3A_29] : memref<10240x144xf32, #tpu.memory_space<vmem_shared>> -> memref<640x144xf32, #tpu.memory_space<vmem_shared>>
      tpu.enqueue_dma source(%arg4 : memref<640x144xf32, #tpu.memory_space<hbm>>) target(%dma_start3A_30 : memref<640x144xf32, #tpu.memory_space<vmem_shared>>) target_semaphore(%run_scoped3A_28 : memref<!tpu.dma_semaphore, #tpu.memory_space<semaphore_mem>>)
      %dma_wait3A = arith.constant 0 : i32
      %dma_wait3A_31 = tpu.memref_slice %arg12[%mul3A_17, %dma_wait3A] : memref<10240x144xf32, #tpu.memory_space<vmem_shared>> -> memref<640x144xf32, #tpu.memory_space<vmem_shared>>
      tpu.wait_dma2 semaphore(%run_scoped3A_28 : memref<!tpu.dma_semaphore, #tpu.memory_space<semaphore_mem>>) src(%arg4 : memref<640x144xf32, #tpu.memory_space<hbm>>) dst(%dma_wait3A_31 : memref<640x144xf32, #tpu.memory_space<vmem_shared>>)
      tpu.yield
    }) : () -> ()
    %barrier3A = arith.constant 0 : index
    tpu.barrier barrier_id(%barrier3A)
    %scan3A = arith.constant 0 : i32
    %scan3A_18 = arith.constant 0 : i32
    %scan3A_19 = arith.constant 38 : i32
    %scan3A_20 = arith.addi %scan3A_18, %scan3A_19 : i32
    %scan3A_21 = arith.constant 1 : i32
    scf.for %scan3A_28 = %scan3A_18 to %scan3A_20 step %scan3A_21  : i32 {
      %mul3A_29 = arith.constant 3 : i32
      %mul3A_30 = arith.muli %mul3A_29, %scan3A_28 : i32
      %add3A_31 = arith.constant 1 : i32
      %add3A_32 = arith.addi %mul3A_30, %add3A_31 : i32
      %add3A_33 = arith.constant 2 : i32
      %add3A_34 = arith.addi %mul3A_30, %add3A_33 : i32
      %dma_wait3A = arith.constant 0 : i32
      %dma_wait3A_35 = arith.constant 0 : i32
      %dma_wait3A_36 = tpu.memref_slice %arg3[%add3A, %add3A_32, %dma_wait3A, %dma_wait3A_35] : memref<32x114x2x88xi32, #tpu.memory_space<hbm>> -> memref<1x1x2x88xi32, #tpu.memory_space<hbm>>
      %dma_wait3A_37 = tpu.memref_squeeze %dma_wait3A_36 : memref<1x1x2x88xi32, #tpu.memory_space<hbm>> -> memref<2x88xi32, #tpu.memory_space<hbm>>
      %dma_wait3A_38 = arith.constant 0 : i32
      %dma_wait3A_39 = arith.constant 0 : i32
      %dma_wait3A_40 = tpu.memref_slice %arg3[%add3A, %add3A_32, %dma_wait3A_38, %dma_wait3A_39] : memref<32x114x2x88xi32, #tpu.memory_space<hbm>> -> memref<1x1x2x88xi32, #tpu.memory_space<hbm>>
      %dma_wait3A_41 = tpu.memref_squeeze %dma_wait3A_40 : memref<1x1x2x88xi32, #tpu.memory_space<hbm>> -> memref<2x88xi32, #tpu.memory_space<hbm>>
      tpu.wait_dma2 semaphore(%arg14 : memref<!tpu.dma_semaphore, #tpu.memory_space<semaphore_mem>>) src(%dma_wait3A_41 : memref<2x88xi32, #tpu.memory_space<hbm>>) dst(%arg7 : memref<2x88xi32, #tpu.memory_space<vmem>>)
      %dma_start3A_42 = arith.constant 0 : i32
      %dma_start3A_43 = arith.constant 0 : i32
      %dma_start3A_44 = tpu.memref_slice %arg7[%dma_start3A_42, %dma_start3A_43] : memref<2x88xi32, #tpu.memory_space<vmem>> -> memref<1x88xi32, #tpu.memory_space<vmem>>
      %dma_start3A_45 = tpu.memref_squeeze %dma_start3A_44 : memref<1x88xi32, #tpu.memory_space<vmem>> -> memref<88xi32, #tpu.memory_space<vmem>>
      %dma_start3A_46 = arith.constant 0 : i32
      %dma_start3A_47 = arith.constant 0 : i32
      %dma_start3A_48 = tpu.memref_slice %arg2[%dma_start3A_46, %dma_start3A_47] : memref<10240x144xf32, #tpu.memory_space<hbm>> -> memref<10240x144xf32, #tpu.memory_space<hbm>>
      tpu.enqueue_indirect_dma source(%dma_start3A_48 : memref<10240x144xf32, #tpu.memory_space<hbm>>) target(%arg10 : memref<88x144xf32, #tpu.memory_space<vmem>>) offsets(%dma_start3A_45 : memref<88xi32, #tpu.memory_space<vmem>>) semaphore(%arg17 : memref<!tpu.dma_semaphore, #tpu.memory_space<semaphore_mem>>)
      %dma_start3A_49 = arith.constant 0 : i32
      %dma_start3A_50 = arith.constant 0 : i32
      %dma_start3A_51 = tpu.memref_slice %arg3[%add3A, %add3A_34, %dma_start3A_49, %dma_start3A_50] : memref<32x114x2x88xi32, #tpu.memory_space<hbm>> -> memref<1x1x2x88xi32, #tpu.memory_space<hbm>>
      %dma_start3A_52 = tpu.memref_squeeze %dma_start3A_51 : memref<1x1x2x88xi32, #tpu.memory_space<hbm>> -> memref<2x88xi32, #tpu.memory_space<hbm>>
      %dma_start3A_53 = arith.constant 0 : i32
      %dma_start3A_54 = arith.constant 0 : i32
      %dma_start3A_55 = tpu.memref_slice %arg3[%add3A, %add3A_34, %dma_start3A_53, %dma_start3A_54] : memref<32x114x2x88xi32, #tpu.memory_space<hbm>> -> memref<1x1x2x88xi32, #tpu.memory_space<hbm>>
      %dma_start3A_56 = tpu.memref_squeeze %dma_start3A_55 : memref<1x1x2x88xi32, #tpu.memory_space<hbm>> -> memref<2x88xi32, #tpu.memory_space<hbm>>
      tpu.enqueue_dma source(%dma_start3A_56 : memref<2x88xi32, #tpu.memory_space<hbm>>) target(%arg8 : memref<2x88xi32, #tpu.memory_space<vmem>>) target_semaphore(%arg15 : memref<!tpu.dma_semaphore, #tpu.memory_space<semaphore_mem>>)
      %dma_wait3A_57 = arith.constant 0 : i32
      %dma_wait3A_58 = arith.constant 0 : i32
      %dma_wait3A_59 = tpu.memref_slice %arg6[%dma_wait3A_57, %dma_wait3A_58] : memref<2x88xi32, #tpu.memory_space<vmem>> -> memref<1x88xi32, #tpu.memory_space<vmem>>
      %dma_wait3A_60 = tpu.memref_squeeze %dma_wait3A_59 : memref<1x88xi32, #tpu.memory_space<vmem>> -> memref<88xi32, #tpu.memory_space<vmem>>
      %dma_wait3A_61 = arith.constant 0 : i32
      %dma_wait3A_62 = arith.constant 0 : i32
      %dma_wait3A_63 = tpu.memref_slice %arg2[%dma_wait3A_61, %dma_wait3A_62] : memref<10240x144xf32, #tpu.memory_space<hbm>> -> memref<10240x144xf32, #tpu.memory_space<hbm>>
      tpu.wait_indirect_dma semaphore(%arg16 : memref<!tpu.dma_semaphore, #tpu.memory_space<semaphore_mem>>) src(%dma_wait3A_63 : memref<10240x144xf32, #tpu.memory_space<hbm>>) dst(%arg9 : memref<88x144xf32, #tpu.memory_space<vmem>>)
      %run_scoped3A_64 = arith.constant 1 : i32
      "tpu.region"() ({
        %run_scoped3A_114 = tpu.sem_alloc : memref<!tpu.dma_semaphore, #tpu.memory_space<semaphore_mem>>
        %dma_start3A_115 = arith.constant 0 : i32
        %dma_start3A_116 = tpu.memref_slice %arg6[%run_scoped3A_64, %dma_start3A_115] : memref<2x88xi32, #tpu.memory_space<vmem>> -> memref<1x88xi32, #tpu.memory_space<vmem>>
        %dma_start3A_117 = tpu.memref_squeeze %dma_start3A_116 : memref<1x88xi32, #tpu.memory_space<vmem>> -> memref<88xi32, #tpu.memory_space<vmem>>
        %dma_start3A_118 = arith.constant 0 : i32
        %dma_start3A_119 = arith.constant 0 : i32
        %dma_start3A_120 = tpu.memref_slice %arg12[%dma_start3A_118, %dma_start3A_119] : memref<10240x144xf32, #tpu.memory_space<vmem_shared>> -> memref<10240x144xf32, #tpu.memory_space<vmem_shared>>
        tpu.enqueue_indirect_dma source(%arg9 : memref<88x144xf32, #tpu.memory_space<vmem>>) target(%dma_start3A_120 : memref<10240x144xf32, #tpu.memory_space<vmem_shared>>) offsets(%dma_start3A_117 : memref<88xi32, #tpu.memory_space<vmem>>) semaphore(%run_scoped3A_114 : memref<!tpu.dma_semaphore, #tpu.memory_space<semaphore_mem>>) {add = true}
        %dma_wait3A_121 = arith.constant 0 : i32
        %dma_wait3A_122 = tpu.memref_slice %arg6[%run_scoped3A_64, %dma_wait3A_121] : memref<2x88xi32, #tpu.memory_space<vmem>> -> memref<1x88xi32, #tpu.memory_space<vmem>>
        %dma_wait3A_123 = tpu.memref_squeeze %dma_wait3A_122 : memref<1x88xi32, #tpu.memory_space<vmem>> -> memref<88xi32, #tpu.memory_space<vmem>>
        %dma_wait3A_124 = arith.constant 0 : i32
        %dma_wait3A_125 = arith.constant 0 : i32
        %dma_wait3A_126 = tpu.memref_slice %arg12[%dma_wait3A_124, %dma_wait3A_125] : memref<10240x144xf32, #tpu.memory_space<vmem_shared>> -> memref<10240x144xf32, #tpu.memory_space<vmem_shared>>
        tpu.wait_indirect_dma semaphore(%run_scoped3A_114 : memref<!tpu.dma_semaphore, #tpu.memory_space<semaphore_mem>>) src(%arg9 : memref<88x144xf32, #tpu.memory_space<vmem>>) dst(%dma_wait3A_126 : memref<10240x144xf32, #tpu.memory_space<vmem_shared>>)
        tpu.yield
      }) : () -> ()
      %add3A_65 = arith.constant 3 : i32
      %add3A_66 = arith.addi %mul3A_30, %add3A_65 : i32
      %lt3A = arith.constant 114 : i32
      %lt3A_67 = arith.cmpi slt, %add3A_66, %lt3A : i32
      %convert_element_type3A = arith.extui %lt3A_67 : i1 to i32
      %cond3A = arith.constant 0 : i32
      %cond3A_68 = arith.cmpi ne, %convert_element_type3A, %cond3A : i32
      scf.if %cond3A_68 {
        %add3A_114 = arith.constant 3 : i32
        %add3A_115 = arith.addi %mul3A_30, %add3A_114 : i32
        %dma_start3A_116 = arith.constant 0 : i32
        %dma_start3A_117 = arith.constant 0 : i32
        %dma_start3A_118 = tpu.memref_slice %arg3[%add3A, %add3A_115, %dma_start3A_116, %dma_start3A_117] : memref<32x114x2x88xi32, #tpu.memory_space<hbm>> -> memref<1x1x2x88xi32, #tpu.memory_space<hbm>>
        %dma_start3A_119 = tpu.memref_squeeze %dma_start3A_118 : memref<1x1x2x88xi32, #tpu.memory_space<hbm>> -> memref<2x88xi32, #tpu.memory_space<hbm>>
        %dma_start3A_120 = arith.constant 0 : i32
        %dma_start3A_121 = arith.constant 0 : i32
        %dma_start3A_122 = tpu.memref_slice %arg3[%add3A, %add3A_115, %dma_start3A_120, %dma_start3A_121] : memref<32x114x2x88xi32, #tpu.memory_space<hbm>> -> memref<1x1x2x88xi32, #tpu.memory_space<hbm>>
        %dma_start3A_123 = tpu.memref_squeeze %dma_start3A_122 : memref<1x1x2x88xi32, #tpu.memory_space<hbm>> -> memref<2x88xi32, #tpu.memory_space<hbm>>
        tpu.enqueue_dma source(%dma_start3A_123 : memref<2x88xi32, #tpu.memory_space<hbm>>) target(%arg6 : memref<2x88xi32, #tpu.memory_space<vmem>>) target_semaphore(%arg13 : memref<!tpu.dma_semaphore, #tpu.memory_space<semaphore_mem>>)
      } else {
      }
      %dma_wait3A_69 = arith.constant 0 : i32
      %dma_wait3A_70 = arith.constant 0 : i32
      %dma_wait3A_71 = tpu.memref_slice %arg3[%add3A, %add3A_34, %dma_wait3A_69, %dma_wait3A_70] : memref<32x114x2x88xi32, #tpu.memory_space<hbm>> -> memref<1x1x2x88xi32, #tpu.memory_space<hbm>>
      %dma_wait3A_72 = tpu.memref_squeeze %dma_wait3A_71 : memref<1x1x2x88xi32, #tpu.memory_space<hbm>> -> memref<2x88xi32, #tpu.memory_space<hbm>>
      %dma_wait3A_73 = arith.constant 0 : i32
      %dma_wait3A_74 = arith.constant 0 : i32
      %dma_wait3A_75 = tpu.memref_slice %arg3[%add3A, %add3A_34, %dma_wait3A_73, %dma_wait3A_74] : memref<32x114x2x88xi32, #tpu.memory_space<hbm>> -> memref<1x1x2x88xi32, #tpu.memory_space<hbm>>
      %dma_wait3A_76 = tpu.memref_squeeze %dma_wait3A_75 : memref<1x1x2x88xi32, #tpu.memory_space<hbm>> -> memref<2x88xi32, #tpu.memory_space<hbm>>
      tpu.wait_dma2 semaphore(%arg15 : memref<!tpu.dma_semaphore, #tpu.memory_space<semaphore_mem>>) src(%dma_wait3A_76 : memref<2x88xi32, #tpu.memory_space<hbm>>) dst(%arg8 : memref<2x88xi32, #tpu.memory_space<vmem>>)
      %dma_start3A_77 = arith.constant 0 : i32
      %dma_start3A_78 = arith.constant 0 : i32
      %dma_start3A_79 = tpu.memref_slice %arg8[%dma_start3A_77, %dma_start3A_78] : memref<2x88xi32, #tpu.memory_space<vmem>> -> memref<1x88xi32, #tpu.memory_space<vmem>>
      %dma_start3A_80 = tpu.memref_squeeze %dma_start3A_79 : memref<1x88xi32, #tpu.memory_space<vmem>> -> memref<88xi32, #tpu.memory_space<vmem>>
      %dma_start3A_81 = arith.constant 0 : i32
      %dma_start3A_82 = arith.constant 0 : i32
      %dma_start3A_83 = tpu.memref_slice %arg2[%dma_start3A_81, %dma_start3A_82] : memref<10240x144xf32, #tpu.memory_space<hbm>> -> memref<10240x144xf32, #tpu.memory_space<hbm>>
      tpu.enqueue_indirect_dma source(%dma_start3A_83 : memref<10240x144xf32, #tpu.memory_space<hbm>>) target(%arg11 : memref<88x144xf32, #tpu.memory_space<vmem>>) offsets(%dma_start3A_80 : memref<88xi32, #tpu.memory_space<vmem>>) semaphore(%arg18 : memref<!tpu.dma_semaphore, #tpu.memory_space<semaphore_mem>>)
      %dma_wait3A_84 = arith.constant 0 : i32
      %dma_wait3A_85 = arith.constant 0 : i32
      %dma_wait3A_86 = tpu.memref_slice %arg7[%dma_wait3A_84, %dma_wait3A_85] : memref<2x88xi32, #tpu.memory_space<vmem>> -> memref<1x88xi32, #tpu.memory_space<vmem>>
      %dma_wait3A_87 = tpu.memref_squeeze %dma_wait3A_86 : memref<1x88xi32, #tpu.memory_space<vmem>> -> memref<88xi32, #tpu.memory_space<vmem>>
      %dma_wait3A_88 = arith.constant 0 : i32
      %dma_wait3A_89 = arith.constant 0 : i32
      %dma_wait3A_90 = tpu.memref_slice %arg2[%dma_wait3A_88, %dma_wait3A_89] : memref<10240x144xf32, #tpu.memory_space<hbm>> -> memref<10240x144xf32, #tpu.memory_space<hbm>>
      tpu.wait_indirect_dma semaphore(%arg17 : memref<!tpu.dma_semaphore, #tpu.memory_space<semaphore_mem>>) src(%dma_wait3A_90 : memref<10240x144xf32, #tpu.memory_space<hbm>>) dst(%arg10 : memref<88x144xf32, #tpu.memory_space<vmem>>)
      %run_scoped3A_91 = arith.constant 1 : i32
      "tpu.region"() ({
        %run_scoped3A_114 = tpu.sem_alloc : memref<!tpu.dma_semaphore, #tpu.memory_space<semaphore_mem>>
        %dma_start3A_115 = arith.constant 0 : i32
        %dma_start3A_116 = tpu.memref_slice %arg7[%run_scoped3A_91, %dma_start3A_115] : memref<2x88xi32, #tpu.memory_space<vmem>> -> memref<1x88xi32, #tpu.memory_space<vmem>>
        %dma_start3A_117 = tpu.memref_squeeze %dma_start3A_116 : memref<1x88xi32, #tpu.memory_space<vmem>> -> memref<88xi32, #tpu.memory_space<vmem>>
        %dma_start3A_118 = arith.constant 0 : i32
        %dma_start3A_119 = arith.constant 0 : i32
        %dma_start3A_120 = tpu.memref_slice %arg12[%dma_start3A_118, %dma_start3A_119] : memref<10240x144xf32, #tpu.memory_space<vmem_shared>> -> memref<10240x144xf32, #tpu.memory_space<vmem_shared>>
        tpu.enqueue_indirect_dma source(%arg10 : memref<88x144xf32, #tpu.memory_space<vmem>>) target(%dma_start3A_120 : memref<10240x144xf32, #tpu.memory_space<vmem_shared>>) offsets(%dma_start3A_117 : memref<88xi32, #tpu.memory_space<vmem>>) semaphore(%run_scoped3A_114 : memref<!tpu.dma_semaphore, #tpu.memory_space<semaphore_mem>>) {add = true}
        %dma_wait3A_121 = arith.constant 0 : i32
        %dma_wait3A_122 = tpu.memref_slice %arg7[%run_scoped3A_91, %dma_wait3A_121] : memref<2x88xi32, #tpu.memory_space<vmem>> -> memref<1x88xi32, #tpu.memory_space<vmem>>
        %dma_wait3A_123 = tpu.memref_squeeze %dma_wait3A_122 : memref<1x88xi32, #tpu.memory_space<vmem>> -> memref<88xi32, #tpu.memory_space<vmem>>
        %dma_wait3A_124 = arith.constant 0 : i32
        %dma_wait3A_125 = arith.constant 0 : i32
        %dma_wait3A_126 = tpu.memref_slice %arg12[%dma_wait3A_124, %dma_wait3A_125] : memref<10240x144xf32, #tpu.memory_space<vmem_shared>> -> memref<10240x144xf32, #tpu.memory_space<vmem_shared>>
        tpu.wait_indirect_dma semaphore(%run_scoped3A_114 : memref<!tpu.dma_semaphore, #tpu.memory_space<semaphore_mem>>) src(%arg10 : memref<88x144xf32, #tpu.memory_space<vmem>>) dst(%dma_wait3A_126 : memref<10240x144xf32, #tpu.memory_space<vmem_shared>>)
        tpu.yield
      }) : () -> ()
      %add3A_92 = arith.constant 3 : i32
      %add3A_93 = arith.addi %mul3A_30, %add3A_92 : i32
      %lt3A_94 = arith.constant 114 : i32
      %lt3A_95 = arith.cmpi slt, %add3A_93, %lt3A_94 : i32
      %convert_element_type3A_96 = arith.extui %lt3A_95 : i1 to i32
      %cond3A_97 = arith.constant 0 : i32
      %cond3A_98 = arith.cmpi ne, %convert_element_type3A_96, %cond3A_97 : i32
      scf.if %cond3A_98 {
        %add3A_114 = arith.constant 3 : i32
        %add3A_115 = arith.addi %mul3A_30, %add3A_114 : i32
        %dma_wait3A_116 = arith.constant 0 : i32
        %dma_wait3A_117 = arith.constant 0 : i32
        %dma_wait3A_118 = tpu.memref_slice %arg3[%add3A, %add3A_115, %dma_wait3A_116, %dma_wait3A_117] : memref<32x114x2x88xi32, #tpu.memory_space<hbm>> -> memref<1x1x2x88xi32, #tpu.memory_space<hbm>>
        %dma_wait3A_119 = tpu.memref_squeeze %dma_wait3A_118 : memref<1x1x2x88xi32, #tpu.memory_space<hbm>> -> memref<2x88xi32, #tpu.memory_space<hbm>>
        %dma_wait3A_120 = arith.constant 0 : i32
        %dma_wait3A_121 = arith.constant 0 : i32
        %dma_wait3A_122 = tpu.memref_slice %arg3[%add3A, %add3A_115, %dma_wait3A_120, %dma_wait3A_121] : memref<32x114x2x88xi32, #tpu.memory_space<hbm>> -> memref<1x1x2x88xi32, #tpu.memory_space<hbm>>
        %dma_wait3A_123 = tpu.memref_squeeze %dma_wait3A_122 : memref<1x1x2x88xi32, #tpu.memory_space<hbm>> -> memref<2x88xi32, #tpu.memory_space<hbm>>
        tpu.wait_dma2 semaphore(%arg13 : memref<!tpu.dma_semaphore, #tpu.memory_space<semaphore_mem>>) src(%dma_wait3A_123 : memref<2x88xi32, #tpu.memory_space<hbm>>) dst(%arg6 : memref<2x88xi32, #tpu.memory_space<vmem>>)
        %dma_start3A_124 = arith.constant 0 : i32
        %dma_start3A_125 = arith.constant 0 : i32
        %dma_start3A_126 = tpu.memref_slice %arg6[%dma_start3A_124, %dma_start3A_125] : memref<2x88xi32, #tpu.memory_space<vmem>> -> memref<1x88xi32, #tpu.memory_space<vmem>>
        %dma_start3A_127 = tpu.memref_squeeze %dma_start3A_126 : memref<1x88xi32, #tpu.memory_space<vmem>> -> memref<88xi32, #tpu.memory_space<vmem>>
        %dma_start3A_128 = arith.constant 0 : i32
        %dma_start3A_129 = arith.constant 0 : i32
        %dma_start3A_130 = tpu.memref_slice %arg2[%dma_start3A_128, %dma_start3A_129] : memref<10240x144xf32, #tpu.memory_space<hbm>> -> memref<10240x144xf32, #tpu.memory_space<hbm>>
        tpu.enqueue_indirect_dma source(%dma_start3A_130 : memref<10240x144xf32, #tpu.memory_space<hbm>>) target(%arg9 : memref<88x144xf32, #tpu.memory_space<vmem>>) offsets(%dma_start3A_127 : memref<88xi32, #tpu.memory_space<vmem>>) semaphore(%arg16 : memref<!tpu.dma_semaphore, #tpu.memory_space<semaphore_mem>>)
      } else {
      }
      %dma_wait3A_99 = arith.constant 0 : i32
      %dma_wait3A_100 = arith.constant 0 : i32
      %dma_wait3A_101 = tpu.memref_slice %arg8[%dma_wait3A_99, %dma_wait3A_100] : memref<2x88xi32, #tpu.memory_space<vmem>> -> memref<1x88xi32, #tpu.memory_space<vmem>>
      %dma_wait3A_102 = tpu.memref_squeeze %dma_wait3A_101 : memref<1x88xi32, #tpu.memory_space<vmem>> -> memref<88xi32, #tpu.memory_space<vmem>>
      %dma_wait3A_103 = arith.constant 0 : i32
      %dma_wait3A_104 = arith.constant 0 : i32
      %dma_wait3A_105 = tpu.memref_slice %arg2[%dma_wait3A_103, %dma_wait3A_104] : memref<10240x144xf32, #tpu.memory_space<hbm>> -> memref<10240x144xf32, #tpu.memory_space<hbm>>
      tpu.wait_indirect_dma semaphore(%arg18 : memref<!tpu.dma_semaphore, #tpu.memory_space<semaphore_mem>>) src(%dma_wait3A_105 : memref<10240x144xf32, #tpu.memory_space<hbm>>) dst(%arg11 : memref<88x144xf32, #tpu.memory_space<vmem>>)
      %run_scoped3A_106 = arith.constant 1 : i32
      "tpu.region"() ({
        %run_scoped3A_114 = tpu.sem_alloc : memref<!tpu.dma_semaphore, #tpu.memory_space<semaphore_mem>>
        %dma_start3A_115 = arith.constant 0 : i32
        %dma_start3A_116 = tpu.memref_slice %arg8[%run_scoped3A_106, %dma_start3A_115] : memref<2x88xi32, #tpu.memory_space<vmem>> -> memref<1x88xi32, #tpu.memory_space<vmem>>
        %dma_start3A_117 = tpu.memref_squeeze %dma_start3A_116 : memref<1x88xi32, #tpu.memory_space<vmem>> -> memref<88xi32, #tpu.memory_space<vmem>>
        %dma_start3A_118 = arith.constant 0 : i32
        %dma_start3A_119 = arith.constant 0 : i32
        %dma_start3A_120 = tpu.memref_slice %arg12[%dma_start3A_118, %dma_start3A_119] : memref<10240x144xf32, #tpu.memory_space<vmem_shared>> -> memref<10240x144xf32, #tpu.memory_space<vmem_shared>>
        tpu.enqueue_indirect_dma source(%arg11 : memref<88x144xf32, #tpu.memory_space<vmem>>) target(%dma_start3A_120 : memref<10240x144xf32, #tpu.memory_space<vmem_shared>>) offsets(%dma_start3A_117 : memref<88xi32, #tpu.memory_space<vmem>>) semaphore(%run_scoped3A_114 : memref<!tpu.dma_semaphore, #tpu.memory_space<semaphore_mem>>) {add = true}
        %dma_wait3A_121 = arith.constant 0 : i32
        %dma_wait3A_122 = tpu.memref_slice %arg8[%run_scoped3A_106, %dma_wait3A_121] : memref<2x88xi32, #tpu.memory_space<vmem>> -> memref<1x88xi32, #tpu.memory_space<vmem>>
        %dma_wait3A_123 = tpu.memref_squeeze %dma_wait3A_122 : memref<1x88xi32, #tpu.memory_space<vmem>> -> memref<88xi32, #tpu.memory_space<vmem>>
        %dma_wait3A_124 = arith.constant 0 : i32
        %dma_wait3A_125 = arith.constant 0 : i32
        %dma_wait3A_126 = tpu.memref_slice %arg12[%dma_wait3A_124, %dma_wait3A_125] : memref<10240x144xf32, #tpu.memory_space<vmem_shared>> -> memref<10240x144xf32, #tpu.memory_space<vmem_shared>>
        tpu.wait_indirect_dma semaphore(%run_scoped3A_114 : memref<!tpu.dma_semaphore, #tpu.memory_space<semaphore_mem>>) src(%arg11 : memref<88x144xf32, #tpu.memory_space<vmem>>) dst(%dma_wait3A_126 : memref<10240x144xf32, #tpu.memory_space<vmem_shared>>)
        tpu.yield
      }) : () -> ()
      %add3A_107 = arith.constant 3 : i32
      %add3A_108 = arith.addi %add3A_32, %add3A_107 : i32
      %lt3A_109 = arith.constant 114 : i32
      %lt3A_110 = arith.cmpi slt, %add3A_108, %lt3A_109 : i32
      %convert_element_type3A_111 = arith.extui %lt3A_110 : i1 to i32
      %cond3A_112 = arith.constant 0 : i32
      %cond3A_113 = arith.cmpi ne, %convert_element_type3A_111, %cond3A_112 : i32
      scf.if %cond3A_113 {
        %add3A_114 = arith.constant 3 : i32
        %add3A_115 = arith.addi %add3A_32, %add3A_114 : i32
        %dma_start3A_116 = arith.constant 0 : i32
        %dma_start3A_117 = arith.constant 0 : i32
        %dma_start3A_118 = tpu.memref_slice %arg3[%add3A, %add3A_115, %dma_start3A_116, %dma_start3A_117] : memref<32x114x2x88xi32, #tpu.memory_space<hbm>> -> memref<1x1x2x88xi32, #tpu.memory_space<hbm>>
        %dma_start3A_119 = tpu.memref_squeeze %dma_start3A_118 : memref<1x1x2x88xi32, #tpu.memory_space<hbm>> -> memref<2x88xi32, #tpu.memory_space<hbm>>
        %dma_start3A_120 = arith.constant 0 : i32
        %dma_start3A_121 = arith.constant 0 : i32
        %dma_start3A_122 = tpu.memref_slice %arg3[%add3A, %add3A_115, %dma_start3A_120, %dma_start3A_121] : memref<32x114x2x88xi32, #tpu.memory_space<hbm>> -> memref<1x1x2x88xi32, #tpu.memory_space<hbm>>
        %dma_start3A_123 = tpu.memref_squeeze %dma_start3A_122 : memref<1x1x2x88xi32, #tpu.memory_space<hbm>> -> memref<2x88xi32, #tpu.memory_space<hbm>>
        tpu.enqueue_dma source(%dma_start3A_123 : memref<2x88xi32, #tpu.memory_space<hbm>>) target(%arg7 : memref<2x88xi32, #tpu.memory_space<vmem>>) target_semaphore(%arg14 : memref<!tpu.dma_semaphore, #tpu.memory_space<semaphore_mem>>)
      } else {
      }
    }
    %scan3A_22 = arith.constant 38 : i32
    %barrier3A_23 = arith.constant 0 : index
    tpu.barrier barrier_id(%barrier3A_23)
    %mul3A_24 = arith.constant 640 : i32
    %mul3A_25 = arith.muli %arg1, %mul3A_24 : i32
    %mul3A_26 = arith.constant 640 : i32
    %mul3A_27 = arith.muli %arg1, %mul3A_26 : i32
    "tpu.region"() ({
      %run_scoped3A_28 = tpu.sem_alloc : memref<!tpu.dma_semaphore, #tpu.memory_space<semaphore_mem>>
      %dma_start3A_29 = arith.constant 0 : i32
      %dma_start3A_30 = tpu.memref_slice %arg5[%arg0, %mul3A_27, %dma_start3A_29] : memref<2x10240x144xf32, #tpu.memory_space<hbm>> -> memref<1x640x144xf32, #tpu.memory_space<hbm>>
      %dma_start3A_31 = tpu.memref_squeeze %dma_start3A_30 : memref<1x640x144xf32, #tpu.memory_space<hbm>> -> memref<640x144xf32, #tpu.memory_space<hbm>>
      %dma_start3A_32 = arith.constant 0 : i32
      %dma_start3A_33 = tpu.memref_slice %arg12[%mul3A_25, %dma_start3A_32] : memref<10240x144xf32, #tpu.memory_space<vmem_shared>> -> memref<640x144xf32, #tpu.memory_space<vmem_shared>>
      tpu.enqueue_dma source(%dma_start3A_33 : memref<640x144xf32, #tpu.memory_space<vmem_shared>>) target(%dma_start3A_31 : memref<640x144xf32, #tpu.memory_space<hbm>>) target_semaphore(%run_scoped3A_28 : memref<!tpu.dma_semaphore, #tpu.memory_space<semaphore_mem>>)
      %dma_wait3A = arith.constant 0 : i32
      %dma_wait3A_34 = tpu.memref_slice %arg5[%arg0, %mul3A_27, %dma_wait3A] : memref<2x10240x144xf32, #tpu.memory_space<hbm>> -> memref<1x640x144xf32, #tpu.memory_space<hbm>>
      %dma_wait3A_35 = tpu.memref_squeeze %dma_wait3A_34 : memref<1x640x144xf32, #tpu.memory_space<hbm>> -> memref<640x144xf32, #tpu.memory_space<hbm>>
      %dma_wait3A_36 = arith.constant 0 : i32
      %dma_wait3A_37 = tpu.memref_slice %arg12[%mul3A_25, %dma_wait3A_36] : memref<10240x144xf32, #tpu.memory_space<vmem_shared>> -> memref<640x144xf32, #tpu.memory_space<vmem_shared>>
      tpu.wait_dma2 semaphore(%run_scoped3A_28 : memref<!tpu.dma_semaphore, #tpu.memory_space<semaphore_mem>>) src(%dma_wait3A_37 : memref<640x144xf32, #tpu.memory_space<vmem_shared>>) dst(%dma_wait3A_35 : memref<640x144xf32, #tpu.memory_space<hbm>>)
      tpu.yield
    }) : () -> ()
    return
  }
}

#map = affine_map<(d0, d1) -> (0, 0)>
#map1 = affine_map<(d0, d1) -> (0, 0, 0, 0)>
#map2 = affine_map<(d0, d1) -> (0, 0, 0)>
module attributes {stable_mosaic.version = 14 : i64} {
  func.func @_sc_segsum(%arg0: i32, %arg1: i32, %arg2: memref<10240x144xf32, #tpu.memory_space<hbm>>, %arg3: memref<32x114x2x88xi32, #tpu.memory_space<hbm>>, %arg4: memref<640x144xf32, #tpu.memory_space<hbm>>, %arg5: memref<2x10240x144xf32, #tpu.memory_space<hbm>>, %arg6: memref<2x88xi32, #tpu.memory_space<vmem>>, %arg7: memref<2x88xi32, #tpu.memory_space<vmem>>, %arg8: memref<2x88xi32, #tpu.memory_space<vmem>>, %arg9: memref<88x144xf32, #tpu.memory_space<vmem>>, %arg10: memref<88x144xf32, #tpu.memory_space<vmem>>, %arg11: memref<88x144xf32, #tpu.memory_space<vmem>>, %arg12: memref<10240x144xf32, #tpu.memory_space<vmem_shared>>, %arg13: memref<!tpu.dma_semaphore, #tpu.memory_space<semaphore_mem>>, %arg14: memref<!tpu.dma_semaphore, #tpu.memory_space<semaphore_mem>>, %arg15: memref<!tpu.dma_semaphore, #tpu.memory_space<semaphore_mem>>, %arg16: memref<!tpu.dma_semaphore, #tpu.memory_space<semaphore_mem>>, %arg17: memref<!tpu.dma_semaphore, #tpu.memory_space<semaphore_mem>>, %arg18: memref<!tpu.dma_semaphore, #tpu.memory_space<semaphore_mem>>) attributes {dimension_semantics = [#tpu.dimension_semantics<core_parallel>, #tpu.dimension_semantics<subcore_parallel>], iteration_bounds = array<i64: 2, 16>, scalar_prefetch = 0 : i64, scratch_operands = 13 : i64, tpu.core_type = #tpu.core_type<sc_vector_subcore>, window_params = [{transform_indices = #map}, {transform_indices = #map1}, {transform_indices = #map}, {transform_indices = #map2}]} {
    %mul3A = arith.constant 16 : i32
    %mul3A_0 = arith.muli %arg0, %mul3A : i32
    %add3A = arith.addi %mul3A_0, %arg1 : i32
    %run_scoped3A = arith.constant 0 : i32
    "tpu.region"() ({
      %run_scoped3A_28 = tpu.sem_alloc : memref<!tpu.dma_semaphore, #tpu.memory_space<semaphore_mem>>
      %dma_start3A_29 = arith.constant 0 : i32
      %dma_start3A_30 = arith.constant 0 : i32
      %dma_start3A_31 = tpu.memref_slice %arg3[%add3A, %run_scoped3A, %dma_start3A_29, %dma_start3A_30] : memref<32x114x2x88xi32, #tpu.memory_space<hbm>> -> memref<1x1x2x88xi32, #tpu.memory_space<hbm>>
      %dma_start3A_32 = tpu.memref_squeeze %dma_start3A_31 : memref<1x1x2x88xi32, #tpu.memory_space<hbm>> -> memref<2x88xi32, #tpu.memory_space<hbm>>
      %dma_start3A_33 = arith.constant 0 : i32
      %dma_start3A_34 = arith.constant 0 : i32
      %dma_start3A_35 = tpu.memref_slice %arg3[%add3A, %run_scoped3A, %dma_start3A_33, %dma_start3A_34] : memref<32x114x2x88xi32, #tpu.memory_space<hbm>> -> memref<1x1x2x88xi32, #tpu.memory_space<hbm>>
      %dma_start3A_36 = tpu.memref_squeeze %dma_start3A_35 : memref<1x1x2x88xi32, #tpu.memory_space<hbm>> -> memref<2x88xi32, #tpu.memory_space<hbm>>
      tpu.enqueue_dma source(%dma_start3A_36 : memref<2x88xi32, #tpu.memory_space<hbm>>) target(%arg6 : memref<2x88xi32, #tpu.memory_space<vmem>>) target_semaphore(%run_scoped3A_28 : memref<!tpu.dma_semaphore, #tpu.memory_space<semaphore_mem>>)
      %dma_wait3A = arith.constant 0 : i32
      %dma_wait3A_37 = arith.constant 0 : i32
      %dma_wait3A_38 = tpu.memref_slice %arg3[%add3A, %run_scoped3A, %dma_wait3A, %dma_wait3A_37] : memref<32x114x2x88xi32, #tpu.memory_space<hbm>> -> memref<1x1x2x88xi32, #tpu.memory_space<hbm>>
      %dma_wait3A_39 = tpu.memref_squeeze %dma_wait3A_38 : memref<1x1x2x88xi32, #tpu.memory_space<hbm>> -> memref<2x88xi32, #tpu.memory_space<hbm>>
      %dma_wait3A_40 = arith.constant 0 : i32
      %dma_wait3A_41 = arith.constant 0 : i32
      %dma_wait3A_42 = tpu.memref_slice %arg3[%add3A, %run_scoped3A, %dma_wait3A_40, %dma_wait3A_41] : memref<32x114x2x88xi32, #tpu.memory_space<hbm>> -> memref<1x1x2x88xi32, #tpu.memory_space<hbm>>
      %dma_wait3A_43 = tpu.memref_squeeze %dma_wait3A_42 : memref<1x1x2x88xi32, #tpu.memory_space<hbm>> -> memref<2x88xi32, #tpu.memory_space<hbm>>
      tpu.wait_dma2 semaphore(%run_scoped3A_28 : memref<!tpu.dma_semaphore, #tpu.memory_space<semaphore_mem>>) src(%dma_wait3A_43 : memref<2x88xi32, #tpu.memory_space<hbm>>) dst(%arg6 : memref<2x88xi32, #tpu.memory_space<vmem>>)
      tpu.yield
    }) : () -> ()
    %dma_start3A = arith.constant 0 : i32
    %dma_start3A_1 = arith.constant 0 : i32
    %dma_start3A_2 = tpu.memref_slice %arg6[%dma_start3A, %dma_start3A_1] : memref<2x88xi32, #tpu.memory_space<vmem>> -> memref<1x88xi32, #tpu.memory_space<vmem>>
    %dma_start3A_3 = tpu.memref_squeeze %dma_start3A_2 : memref<1x88xi32, #tpu.memory_space<vmem>> -> memref<88xi32, #tpu.memory_space<vmem>>
    %dma_start3A_4 = arith.constant 0 : i32
    %dma_start3A_5 = arith.constant 0 : i32
    %dma_start3A_6 = tpu.memref_slice %arg2[%dma_start3A_4, %dma_start3A_5] : memref<10240x144xf32, #tpu.memory_space<hbm>> -> memref<10240x144xf32, #tpu.memory_space<hbm>>
    tpu.enqueue_indirect_dma source(%dma_start3A_6 : memref<10240x144xf32, #tpu.memory_space<hbm>>) target(%arg9 : memref<88x144xf32, #tpu.memory_space<vmem>>) offsets(%dma_start3A_3 : memref<88xi32, #tpu.memory_space<vmem>>) semaphore(%arg16 : memref<!tpu.dma_semaphore, #tpu.memory_space<semaphore_mem>>)
    %dma_start3A_7 = arith.constant 1 : i32
    %dma_start3A_8 = arith.constant 0 : i32
    %dma_start3A_9 = arith.constant 0 : i32
    %dma_start3A_10 = tpu.memref_slice %arg3[%add3A, %dma_start3A_7, %dma_start3A_8, %dma_start3A_9] : memref<32x114x2x88xi32, #tpu.memory_space<hbm>> -> memref<1x1x2x88xi32, #tpu.memory_space<hbm>>
    %dma_start3A_11 = tpu.memref_squeeze %dma_start3A_10 : memref<1x1x2x88xi32, #tpu.memory_space<hbm>> -> memref<2x88xi32, #tpu.memory_space<hbm>>
    %dma_start3A_12 = arith.constant 0 : i32
    %dma_start3A_13 = arith.constant 0 : i32
    %dma_start3A_14 = tpu.memref_slice %arg3[%add3A, %dma_start3A_7, %dma_start3A_12, %dma_start3A_13] : memref<32x114x2x88xi32, #tpu.memory_space<hbm>> -> memref<1x1x2x88xi32, #tpu.memory_space<hbm>>
    %dma_start3A_15 = tpu.memref_squeeze %dma_start3A_14 : memref<1x1x2x88xi32, #tpu.memory_space<hbm>> -> memref<2x88xi32, #tpu.memory_space<hbm>>
    tpu.enqueue_dma source(%dma_start3A_15 : memref<2x88xi32, #tpu.memory_space<hbm>>) target(%arg7 : memref<2x88xi32, #tpu.memory_space<vmem>>) target_semaphore(%arg14 : memref<!tpu.dma_semaphore, #tpu.memory_space<semaphore_mem>>)
    %mul3A_16 = arith.constant 640 : i32
    %mul3A_17 = arith.muli %arg1, %mul3A_16 : i32
    "tpu.region"() ({
      %run_scoped3A_28 = tpu.sem_alloc : memref<!tpu.dma_semaphore, #tpu.memory_space<semaphore_mem>>
      %dma_start3A_29 = arith.constant 0 : i32
      %dma_start3A_30 = tpu.memref_slice %arg12[%mul3A_17, %dma_start3A_29] : memref<10240x144xf32, #tpu.memory_space<vmem_shared>> -> memref<640x144xf32, #tpu.memory_space<vmem_shared>>
      tpu.enqueue_dma source(%arg4 : memref<640x144xf32, #tpu.memory_space<hbm>>) target(%dma_start3A_30 : memref<640x144xf32, #tpu.memory_space<vmem_shared>>) target_semaphore(%run_scoped3A_28 : memref<!tpu.dma_semaphore, #tpu.memory_space<semaphore_mem>>)
      %dma_wait3A = arith.constant 0 : i32
      %dma_wait3A_31 = tpu.memref_slice %arg12[%mul3A_17, %dma_wait3A] : memref<10240x144xf32, #tpu.memory_space<vmem_shared>> -> memref<640x144xf32, #tpu.memory_space<vmem_shared>>
      tpu.wait_dma2 semaphore(%run_scoped3A_28 : memref<!tpu.dma_semaphore, #tpu.memory_space<semaphore_mem>>) src(%arg4 : memref<640x144xf32, #tpu.memory_space<hbm>>) dst(%dma_wait3A_31 : memref<640x144xf32, #tpu.memory_space<vmem_shared>>)
      tpu.yield
    }) : () -> ()
    %barrier3A = arith.constant 0 : index
    tpu.barrier barrier_id(%barrier3A)
    %scan3A = arith.constant 0 : i32
    %scan3A_18 = arith.constant 0 : i32
    %scan3A_19 = arith.constant 38 : i32
    %scan3A_20 = arith.addi %scan3A_18, %scan3A_19 : i32
    %scan3A_21 = arith.constant 1 : i32
    scf.for %scan3A_28 = %scan3A_18 to %scan3A_20 step %scan3A_21  : i32 {
      %mul3A_29 = arith.constant 3 : i32
      %mul3A_30 = arith.muli %mul3A_29, %scan3A_28 : i32
      %add3A_31 = arith.constant 1 : i32
      %add3A_32 = arith.addi %mul3A_30, %add3A_31 : i32
      %add3A_33 = arith.constant 2 : i32
      %add3A_34 = arith.addi %mul3A_30, %add3A_33 : i32
      %dma_wait3A = arith.constant 0 : i32
      %dma_wait3A_35 = arith.constant 0 : i32
      %dma_wait3A_36 = tpu.memref_slice %arg3[%add3A, %add3A_32, %dma_wait3A, %dma_wait3A_35] : memref<32x114x2x88xi32, #tpu.memory_space<hbm>> -> memref<1x1x2x88xi32, #tpu.memory_space<hbm>>
      %dma_wait3A_37 = tpu.memref_squeeze %dma_wait3A_36 : memref<1x1x2x88xi32, #tpu.memory_space<hbm>> -> memref<2x88xi32, #tpu.memory_space<hbm>>
      %dma_wait3A_38 = arith.constant 0 : i32
      %dma_wait3A_39 = arith.constant 0 : i32
      %dma_wait3A_40 = tpu.memref_slice %arg3[%add3A, %add3A_32, %dma_wait3A_38, %dma_wait3A_39] : memref<32x114x2x88xi32, #tpu.memory_space<hbm>> -> memref<1x1x2x88xi32, #tpu.memory_space<hbm>>
      %dma_wait3A_41 = tpu.memref_squeeze %dma_wait3A_40 : memref<1x1x2x88xi32, #tpu.memory_space<hbm>> -> memref<2x88xi32, #tpu.memory_space<hbm>>
      tpu.wait_dma2 semaphore(%arg14 : memref<!tpu.dma_semaphore, #tpu.memory_space<semaphore_mem>>) src(%dma_wait3A_41 : memref<2x88xi32, #tpu.memory_space<hbm>>) dst(%arg7 : memref<2x88xi32, #tpu.memory_space<vmem>>)
      %dma_start3A_42 = arith.constant 0 : i32
      %dma_start3A_43 = arith.constant 0 : i32
      %dma_start3A_44 = tpu.memref_slice %arg7[%dma_start3A_42, %dma_start3A_43] : memref<2x88xi32, #tpu.memory_space<vmem>> -> memref<1x88xi32, #tpu.memory_space<vmem>>
      %dma_start3A_45 = tpu.memref_squeeze %dma_start3A_44 : memref<1x88xi32, #tpu.memory_space<vmem>> -> memref<88xi32, #tpu.memory_space<vmem>>
      %dma_start3A_46 = arith.constant 0 : i32
      %dma_start3A_47 = arith.constant 0 : i32
      %dma_start3A_48 = tpu.memref_slice %arg2[%dma_start3A_46, %dma_start3A_47] : memref<10240x144xf32, #tpu.memory_space<hbm>> -> memref<10240x144xf32, #tpu.memory_space<hbm>>
      tpu.enqueue_indirect_dma source(%dma_start3A_48 : memref<10240x144xf32, #tpu.memory_space<hbm>>) target(%arg10 : memref<88x144xf32, #tpu.memory_space<vmem>>) offsets(%dma_start3A_45 : memref<88xi32, #tpu.memory_space<vmem>>) semaphore(%arg17 : memref<!tpu.dma_semaphore, #tpu.memory_space<semaphore_mem>>)
      %dma_start3A_49 = arith.constant 0 : i32
      %dma_start3A_50 = arith.constant 0 : i32
      %dma_start3A_51 = tpu.memref_slice %arg3[%add3A, %add3A_34, %dma_start3A_49, %dma_start3A_50] : memref<32x114x2x88xi32, #tpu.memory_space<hbm>> -> memref<1x1x2x88xi32, #tpu.memory_space<hbm>>
      %dma_start3A_52 = tpu.memref_squeeze %dma_start3A_51 : memref<1x1x2x88xi32, #tpu.memory_space<hbm>> -> memref<2x88xi32, #tpu.memory_space<hbm>>
      %dma_start3A_53 = arith.constant 0 : i32
      %dma_start3A_54 = arith.constant 0 : i32
      %dma_start3A_55 = tpu.memref_slice %arg3[%add3A, %add3A_34, %dma_start3A_53, %dma_start3A_54] : memref<32x114x2x88xi32, #tpu.memory_space<hbm>> -> memref<1x1x2x88xi32, #tpu.memory_space<hbm>>
      %dma_start3A_56 = tpu.memref_squeeze %dma_start3A_55 : memref<1x1x2x88xi32, #tpu.memory_space<hbm>> -> memref<2x88xi32, #tpu.memory_space<hbm>>
      tpu.enqueue_dma source(%dma_start3A_56 : memref<2x88xi32, #tpu.memory_space<hbm>>) target(%arg8 : memref<2x88xi32, #tpu.memory_space<vmem>>) target_semaphore(%arg15 : memref<!tpu.dma_semaphore, #tpu.memory_space<semaphore_mem>>)
      %dma_wait3A_57 = arith.constant 0 : i32
      %dma_wait3A_58 = arith.constant 0 : i32
      %dma_wait3A_59 = tpu.memref_slice %arg6[%dma_wait3A_57, %dma_wait3A_58] : memref<2x88xi32, #tpu.memory_space<vmem>> -> memref<1x88xi32, #tpu.memory_space<vmem>>
      %dma_wait3A_60 = tpu.memref_squeeze %dma_wait3A_59 : memref<1x88xi32, #tpu.memory_space<vmem>> -> memref<88xi32, #tpu.memory_space<vmem>>
      %dma_wait3A_61 = arith.constant 0 : i32
      %dma_wait3A_62 = arith.constant 0 : i32
      %dma_wait3A_63 = tpu.memref_slice %arg2[%dma_wait3A_61, %dma_wait3A_62] : memref<10240x144xf32, #tpu.memory_space<hbm>> -> memref<10240x144xf32, #tpu.memory_space<hbm>>
      tpu.wait_indirect_dma semaphore(%arg16 : memref<!tpu.dma_semaphore, #tpu.memory_space<semaphore_mem>>) src(%dma_wait3A_63 : memref<10240x144xf32, #tpu.memory_space<hbm>>) dst(%arg9 : memref<88x144xf32, #tpu.memory_space<vmem>>)
      %run_scoped3A_64 = arith.constant 1 : i32
      "tpu.region"() ({
        %run_scoped3A_114 = tpu.sem_alloc : memref<!tpu.dma_semaphore, #tpu.memory_space<semaphore_mem>>
        %dma_start3A_115 = arith.constant 0 : i32
        %dma_start3A_116 = tpu.memref_slice %arg6[%run_scoped3A_64, %dma_start3A_115] : memref<2x88xi32, #tpu.memory_space<vmem>> -> memref<1x88xi32, #tpu.memory_space<vmem>>
        %dma_start3A_117 = tpu.memref_squeeze %dma_start3A_116 : memref<1x88xi32, #tpu.memory_space<vmem>> -> memref<88xi32, #tpu.memory_space<vmem>>
        %dma_start3A_118 = arith.constant 0 : i32
        %dma_start3A_119 = arith.constant 0 : i32
        %dma_start3A_120 = tpu.memref_slice %arg12[%dma_start3A_118, %dma_start3A_119] : memref<10240x144xf32, #tpu.memory_space<vmem_shared>> -> memref<10240x144xf32, #tpu.memory_space<vmem_shared>>
        tpu.enqueue_indirect_dma source(%arg9 : memref<88x144xf32, #tpu.memory_space<vmem>>) target(%dma_start3A_120 : memref<10240x144xf32, #tpu.memory_space<vmem_shared>>) offsets(%dma_start3A_117 : memref<88xi32, #tpu.memory_space<vmem>>) semaphore(%run_scoped3A_114 : memref<!tpu.dma_semaphore, #tpu.memory_space<semaphore_mem>>) {add = true}
        %dma_wait3A_121 = arith.constant 0 : i32
        %dma_wait3A_122 = tpu.memref_slice %arg6[%run_scoped3A_64, %dma_wait3A_121] : memref<2x88xi32, #tpu.memory_space<vmem>> -> memref<1x88xi32, #tpu.memory_space<vmem>>
        %dma_wait3A_123 = tpu.memref_squeeze %dma_wait3A_122 : memref<1x88xi32, #tpu.memory_space<vmem>> -> memref<88xi32, #tpu.memory_space<vmem>>
        %dma_wait3A_124 = arith.constant 0 : i32
        %dma_wait3A_125 = arith.constant 0 : i32
        %dma_wait3A_126 = tpu.memref_slice %arg12[%dma_wait3A_124, %dma_wait3A_125] : memref<10240x144xf32, #tpu.memory_space<vmem_shared>> -> memref<10240x144xf32, #tpu.memory_space<vmem_shared>>
        tpu.wait_indirect_dma semaphore(%run_scoped3A_114 : memref<!tpu.dma_semaphore, #tpu.memory_space<semaphore_mem>>) src(%arg9 : memref<88x144xf32, #tpu.memory_space<vmem>>) dst(%dma_wait3A_126 : memref<10240x144xf32, #tpu.memory_space<vmem_shared>>)
        tpu.yield
      }) : () -> ()
      %add3A_65 = arith.constant 3 : i32
      %add3A_66 = arith.addi %mul3A_30, %add3A_65 : i32
      %lt3A = arith.constant 114 : i32
      %lt3A_67 = arith.cmpi slt, %add3A_66, %lt3A : i32
      %convert_element_type3A = arith.extui %lt3A_67 : i1 to i32
      %cond3A = arith.constant 0 : i32
      %cond3A_68 = arith.cmpi ne, %convert_element_type3A, %cond3A : i32
      scf.if %cond3A_68 {
        %add3A_114 = arith.constant 3 : i32
        %add3A_115 = arith.addi %mul3A_30, %add3A_114 : i32
        %dma_start3A_116 = arith.constant 0 : i32
        %dma_start3A_117 = arith.constant 0 : i32
        %dma_start3A_118 = tpu.memref_slice %arg3[%add3A, %add3A_115, %dma_start3A_116, %dma_start3A_117] : memref<32x114x2x88xi32, #tpu.memory_space<hbm>> -> memref<1x1x2x88xi32, #tpu.memory_space<hbm>>
        %dma_start3A_119 = tpu.memref_squeeze %dma_start3A_118 : memref<1x1x2x88xi32, #tpu.memory_space<hbm>> -> memref<2x88xi32, #tpu.memory_space<hbm>>
        %dma_start3A_120 = arith.constant 0 : i32
        %dma_start3A_121 = arith.constant 0 : i32
        %dma_start3A_122 = tpu.memref_slice %arg3[%add3A, %add3A_115, %dma_start3A_120, %dma_start3A_121] : memref<32x114x2x88xi32, #tpu.memory_space<hbm>> -> memref<1x1x2x88xi32, #tpu.memory_space<hbm>>
        %dma_start3A_123 = tpu.memref_squeeze %dma_start3A_122 : memref<1x1x2x88xi32, #tpu.memory_space<hbm>> -> memref<2x88xi32, #tpu.memory_space<hbm>>
        tpu.enqueue_dma source(%dma_start3A_123 : memref<2x88xi32, #tpu.memory_space<hbm>>) target(%arg6 : memref<2x88xi32, #tpu.memory_space<vmem>>) target_semaphore(%arg13 : memref<!tpu.dma_semaphore, #tpu.memory_space<semaphore_mem>>)
      } else {
      }
      %dma_wait3A_69 = arith.constant 0 : i32
      %dma_wait3A_70 = arith.constant 0 : i32
      %dma_wait3A_71 = tpu.memref_slice %arg3[%add3A, %add3A_34, %dma_wait3A_69, %dma_wait3A_70] : memref<32x114x2x88xi32, #tpu.memory_space<hbm>> -> memref<1x1x2x88xi32, #tpu.memory_space<hbm>>
      %dma_wait3A_72 = tpu.memref_squeeze %dma_wait3A_71 : memref<1x1x2x88xi32, #tpu.memory_space<hbm>> -> memref<2x88xi32, #tpu.memory_space<hbm>>
      %dma_wait3A_73 = arith.constant 0 : i32
      %dma_wait3A_74 = arith.constant 0 : i32
      %dma_wait3A_75 = tpu.memref_slice %arg3[%add3A, %add3A_34, %dma_wait3A_73, %dma_wait3A_74] : memref<32x114x2x88xi32, #tpu.memory_space<hbm>> -> memref<1x1x2x88xi32, #tpu.memory_space<hbm>>
      %dma_wait3A_76 = tpu.memref_squeeze %dma_wait3A_75 : memref<1x1x2x88xi32, #tpu.memory_space<hbm>> -> memref<2x88xi32, #tpu.memory_space<hbm>>
      tpu.wait_dma2 semaphore(%arg15 : memref<!tpu.dma_semaphore, #tpu.memory_space<semaphore_mem>>) src(%dma_wait3A_76 : memref<2x88xi32, #tpu.memory_space<hbm>>) dst(%arg8 : memref<2x88xi32, #tpu.memory_space<vmem>>)
      %dma_start3A_77 = arith.constant 0 : i32
      %dma_start3A_78 = arith.constant 0 : i32
      %dma_start3A_79 = tpu.memref_slice %arg8[%dma_start3A_77, %dma_start3A_78] : memref<2x88xi32, #tpu.memory_space<vmem>> -> memref<1x88xi32, #tpu.memory_space<vmem>>
      %dma_start3A_80 = tpu.memref_squeeze %dma_start3A_79 : memref<1x88xi32, #tpu.memory_space<vmem>> -> memref<88xi32, #tpu.memory_space<vmem>>
      %dma_start3A_81 = arith.constant 0 : i32
      %dma_start3A_82 = arith.constant 0 : i32
      %dma_start3A_83 = tpu.memref_slice %arg2[%dma_start3A_81, %dma_start3A_82] : memref<10240x144xf32, #tpu.memory_space<hbm>> -> memref<10240x144xf32, #tpu.memory_space<hbm>>
      tpu.enqueue_indirect_dma source(%dma_start3A_83 : memref<10240x144xf32, #tpu.memory_space<hbm>>) target(%arg11 : memref<88x144xf32, #tpu.memory_space<vmem>>) offsets(%dma_start3A_80 : memref<88xi32, #tpu.memory_space<vmem>>) semaphore(%arg18 : memref<!tpu.dma_semaphore, #tpu.memory_space<semaphore_mem>>)
      %dma_wait3A_84 = arith.constant 0 : i32
      %dma_wait3A_85 = arith.constant 0 : i32
      %dma_wait3A_86 = tpu.memref_slice %arg7[%dma_wait3A_84, %dma_wait3A_85] : memref<2x88xi32, #tpu.memory_space<vmem>> -> memref<1x88xi32, #tpu.memory_space<vmem>>
      %dma_wait3A_87 = tpu.memref_squeeze %dma_wait3A_86 : memref<1x88xi32, #tpu.memory_space<vmem>> -> memref<88xi32, #tpu.memory_space<vmem>>
      %dma_wait3A_88 = arith.constant 0 : i32
      %dma_wait3A_89 = arith.constant 0 : i32
      %dma_wait3A_90 = tpu.memref_slice %arg2[%dma_wait3A_88, %dma_wait3A_89] : memref<10240x144xf32, #tpu.memory_space<hbm>> -> memref<10240x144xf32, #tpu.memory_space<hbm>>
      tpu.wait_indirect_dma semaphore(%arg17 : memref<!tpu.dma_semaphore, #tpu.memory_space<semaphore_mem>>) src(%dma_wait3A_90 : memref<10240x144xf32, #tpu.memory_space<hbm>>) dst(%arg10 : memref<88x144xf32, #tpu.memory_space<vmem>>)
      %run_scoped3A_91 = arith.constant 1 : i32
      "tpu.region"() ({
        %run_scoped3A_114 = tpu.sem_alloc : memref<!tpu.dma_semaphore, #tpu.memory_space<semaphore_mem>>
        %dma_start3A_115 = arith.constant 0 : i32
        %dma_start3A_116 = tpu.memref_slice %arg7[%run_scoped3A_91, %dma_start3A_115] : memref<2x88xi32, #tpu.memory_space<vmem>> -> memref<1x88xi32, #tpu.memory_space<vmem>>
        %dma_start3A_117 = tpu.memref_squeeze %dma_start3A_116 : memref<1x88xi32, #tpu.memory_space<vmem>> -> memref<88xi32, #tpu.memory_space<vmem>>
        %dma_start3A_118 = arith.constant 0 : i32
        %dma_start3A_119 = arith.constant 0 : i32
        %dma_start3A_120 = tpu.memref_slice %arg12[%dma_start3A_118, %dma_start3A_119] : memref<10240x144xf32, #tpu.memory_space<vmem_shared>> -> memref<10240x144xf32, #tpu.memory_space<vmem_shared>>
        tpu.enqueue_indirect_dma source(%arg10 : memref<88x144xf32, #tpu.memory_space<vmem>>) target(%dma_start3A_120 : memref<10240x144xf32, #tpu.memory_space<vmem_shared>>) offsets(%dma_start3A_117 : memref<88xi32, #tpu.memory_space<vmem>>) semaphore(%run_scoped3A_114 : memref<!tpu.dma_semaphore, #tpu.memory_space<semaphore_mem>>) {add = true}
        %dma_wait3A_121 = arith.constant 0 : i32
        %dma_wait3A_122 = tpu.memref_slice %arg7[%run_scoped3A_91, %dma_wait3A_121] : memref<2x88xi32, #tpu.memory_space<vmem>> -> memref<1x88xi32, #tpu.memory_space<vmem>>
        %dma_wait3A_123 = tpu.memref_squeeze %dma_wait3A_122 : memref<1x88xi32, #tpu.memory_space<vmem>> -> memref<88xi32, #tpu.memory_space<vmem>>
        %dma_wait3A_124 = arith.constant 0 : i32
        %dma_wait3A_125 = arith.constant 0 : i32
        %dma_wait3A_126 = tpu.memref_slice %arg12[%dma_wait3A_124, %dma_wait3A_125] : memref<10240x144xf32, #tpu.memory_space<vmem_shared>> -> memref<10240x144xf32, #tpu.memory_space<vmem_shared>>
        tpu.wait_indirect_dma semaphore(%run_scoped3A_114 : memref<!tpu.dma_semaphore, #tpu.memory_space<semaphore_mem>>) src(%arg10 : memref<88x144xf32, #tpu.memory_space<vmem>>) dst(%dma_wait3A_126 : memref<10240x144xf32, #tpu.memory_space<vmem_shared>>)
        tpu.yield
      }) : () -> ()
      %add3A_92 = arith.constant 3 : i32
      %add3A_93 = arith.addi %mul3A_30, %add3A_92 : i32
      %lt3A_94 = arith.constant 114 : i32
      %lt3A_95 = arith.cmpi slt, %add3A_93, %lt3A_94 : i32
      %convert_element_type3A_96 = arith.extui %lt3A_95 : i1 to i32
      %cond3A_97 = arith.constant 0 : i32
      %cond3A_98 = arith.cmpi ne, %convert_element_type3A_96, %cond3A_97 : i32
      scf.if %cond3A_98 {
        %add3A_114 = arith.constant 3 : i32
        %add3A_115 = arith.addi %mul3A_30, %add3A_114 : i32
        %dma_wait3A_116 = arith.constant 0 : i32
        %dma_wait3A_117 = arith.constant 0 : i32
        %dma_wait3A_118 = tpu.memref_slice %arg3[%add3A, %add3A_115, %dma_wait3A_116, %dma_wait3A_117] : memref<32x114x2x88xi32, #tpu.memory_space<hbm>> -> memref<1x1x2x88xi32, #tpu.memory_space<hbm>>
        %dma_wait3A_119 = tpu.memref_squeeze %dma_wait3A_118 : memref<1x1x2x88xi32, #tpu.memory_space<hbm>> -> memref<2x88xi32, #tpu.memory_space<hbm>>
        %dma_wait3A_120 = arith.constant 0 : i32
        %dma_wait3A_121 = arith.constant 0 : i32
        %dma_wait3A_122 = tpu.memref_slice %arg3[%add3A, %add3A_115, %dma_wait3A_120, %dma_wait3A_121] : memref<32x114x2x88xi32, #tpu.memory_space<hbm>> -> memref<1x1x2x88xi32, #tpu.memory_space<hbm>>
        %dma_wait3A_123 = tpu.memref_squeeze %dma_wait3A_122 : memref<1x1x2x88xi32, #tpu.memory_space<hbm>> -> memref<2x88xi32, #tpu.memory_space<hbm>>
        tpu.wait_dma2 semaphore(%arg13 : memref<!tpu.dma_semaphore, #tpu.memory_space<semaphore_mem>>) src(%dma_wait3A_123 : memref<2x88xi32, #tpu.memory_space<hbm>>) dst(%arg6 : memref<2x88xi32, #tpu.memory_space<vmem>>)
        %dma_start3A_124 = arith.constant 0 : i32
        %dma_start3A_125 = arith.constant 0 : i32
        %dma_start3A_126 = tpu.memref_slice %arg6[%dma_start3A_124, %dma_start3A_125] : memref<2x88xi32, #tpu.memory_space<vmem>> -> memref<1x88xi32, #tpu.memory_space<vmem>>
        %dma_start3A_127 = tpu.memref_squeeze %dma_start3A_126 : memref<1x88xi32, #tpu.memory_space<vmem>> -> memref<88xi32, #tpu.memory_space<vmem>>
        %dma_start3A_128 = arith.constant 0 : i32
        %dma_start3A_129 = arith.constant 0 : i32
        %dma_start3A_130 = tpu.memref_slice %arg2[%dma_start3A_128, %dma_start3A_129] : memref<10240x144xf32, #tpu.memory_space<hbm>> -> memref<10240x144xf32, #tpu.memory_space<hbm>>
        tpu.enqueue_indirect_dma source(%dma_start3A_130 : memref<10240x144xf32, #tpu.memory_space<hbm>>) target(%arg9 : memref<88x144xf32, #tpu.memory_space<vmem>>) offsets(%dma_start3A_127 : memref<88xi32, #tpu.memory_space<vmem>>) semaphore(%arg16 : memref<!tpu.dma_semaphore, #tpu.memory_space<semaphore_mem>>)
      } else {
      }
      %dma_wait3A_99 = arith.constant 0 : i32
      %dma_wait3A_100 = arith.constant 0 : i32
      %dma_wait3A_101 = tpu.memref_slice %arg8[%dma_wait3A_99, %dma_wait3A_100] : memref<2x88xi32, #tpu.memory_space<vmem>> -> memref<1x88xi32, #tpu.memory_space<vmem>>
      %dma_wait3A_102 = tpu.memref_squeeze %dma_wait3A_101 : memref<1x88xi32, #tpu.memory_space<vmem>> -> memref<88xi32, #tpu.memory_space<vmem>>
      %dma_wait3A_103 = arith.constant 0 : i32
      %dma_wait3A_104 = arith.constant 0 : i32
      %dma_wait3A_105 = tpu.memref_slice %arg2[%dma_wait3A_103, %dma_wait3A_104] : memref<10240x144xf32, #tpu.memory_space<hbm>> -> memref<10240x144xf32, #tpu.memory_space<hbm>>
      tpu.wait_indirect_dma semaphore(%arg18 : memref<!tpu.dma_semaphore, #tpu.memory_space<semaphore_mem>>) src(%dma_wait3A_105 : memref<10240x144xf32, #tpu.memory_space<hbm>>) dst(%arg11 : memref<88x144xf32, #tpu.memory_space<vmem>>)
      %run_scoped3A_106 = arith.constant 1 : i32
      "tpu.region"() ({
        %run_scoped3A_114 = tpu.sem_alloc : memref<!tpu.dma_semaphore, #tpu.memory_space<semaphore_mem>>
        %dma_start3A_115 = arith.constant 0 : i32
        %dma_start3A_116 = tpu.memref_slice %arg8[%run_scoped3A_106, %dma_start3A_115] : memref<2x88xi32, #tpu.memory_space<vmem>> -> memref<1x88xi32, #tpu.memory_space<vmem>>
        %dma_start3A_117 = tpu.memref_squeeze %dma_start3A_116 : memref<1x88xi32, #tpu.memory_space<vmem>> -> memref<88xi32, #tpu.memory_space<vmem>>
        %dma_start3A_118 = arith.constant 0 : i32
        %dma_start3A_119 = arith.constant 0 : i32
        %dma_start3A_120 = tpu.memref_slice %arg12[%dma_start3A_118, %dma_start3A_119] : memref<10240x144xf32, #tpu.memory_space<vmem_shared>> -> memref<10240x144xf32, #tpu.memory_space<vmem_shared>>
        tpu.enqueue_indirect_dma source(%arg11 : memref<88x144xf32, #tpu.memory_space<vmem>>) target(%dma_start3A_120 : memref<10240x144xf32, #tpu.memory_space<vmem_shared>>) offsets(%dma_start3A_117 : memref<88xi32, #tpu.memory_space<vmem>>) semaphore(%run_scoped3A_114 : memref<!tpu.dma_semaphore, #tpu.memory_space<semaphore_mem>>) {add = true}
        %dma_wait3A_121 = arith.constant 0 : i32
        %dma_wait3A_122 = tpu.memref_slice %arg8[%run_scoped3A_106, %dma_wait3A_121] : memref<2x88xi32, #tpu.memory_space<vmem>> -> memref<1x88xi32, #tpu.memory_space<vmem>>
        %dma_wait3A_123 = tpu.memref_squeeze %dma_wait3A_122 : memref<1x88xi32, #tpu.memory_space<vmem>> -> memref<88xi32, #tpu.memory_space<vmem>>
        %dma_wait3A_124 = arith.constant 0 : i32
        %dma_wait3A_125 = arith.constant 0 : i32
        %dma_wait3A_126 = tpu.memref_slice %arg12[%dma_wait3A_124, %dma_wait3A_125] : memref<10240x144xf32, #tpu.memory_space<vmem_shared>> -> memref<10240x144xf32, #tpu.memory_space<vmem_shared>>
        tpu.wait_indirect_dma semaphore(%run_scoped3A_114 : memref<!tpu.dma_semaphore, #tpu.memory_space<semaphore_mem>>) src(%arg11 : memref<88x144xf32, #tpu.memory_space<vmem>>) dst(%dma_wait3A_126 : memref<10240x144xf32, #tpu.memory_space<vmem_shared>>)
        tpu.yield
      }) : () -> ()
      %add3A_107 = arith.constant 3 : i32
      %add3A_108 = arith.addi %add3A_32, %add3A_107 : i32
      %lt3A_109 = arith.constant 114 : i32
      %lt3A_110 = arith.cmpi slt, %add3A_108, %lt3A_109 : i32
      %convert_element_type3A_111 = arith.extui %lt3A_110 : i1 to i32
      %cond3A_112 = arith.constant 0 : i32
      %cond3A_113 = arith.cmpi ne, %convert_element_type3A_111, %cond3A_112 : i32
      scf.if %cond3A_113 {
        %add3A_114 = arith.constant 3 : i32
        %add3A_115 = arith.addi %add3A_32, %add3A_114 : i32
        %dma_start3A_116 = arith.constant 0 : i32
        %dma_start3A_117 = arith.constant 0 : i32
        %dma_start3A_118 = tpu.memref_slice %arg3[%add3A, %add3A_115, %dma_start3A_116, %dma_start3A_117] : memref<32x114x2x88xi32, #tpu.memory_space<hbm>> -> memref<1x1x2x88xi32, #tpu.memory_space<hbm>>
        %dma_start3A_119 = tpu.memref_squeeze %dma_start3A_118 : memref<1x1x2x88xi32, #tpu.memory_space<hbm>> -> memref<2x88xi32, #tpu.memory_space<hbm>>
        %dma_start3A_120 = arith.constant 0 : i32
        %dma_start3A_121 = arith.constant 0 : i32
        %dma_start3A_122 = tpu.memref_slice %arg3[%add3A, %add3A_115, %dma_start3A_120, %dma_start3A_121] : memref<32x114x2x88xi32, #tpu.memory_space<hbm>> -> memref<1x1x2x88xi32, #tpu.memory_space<hbm>>
        %dma_start3A_123 = tpu.memref_squeeze %dma_start3A_122 : memref<1x1x2x88xi32, #tpu.memory_space<hbm>> -> memref<2x88xi32, #tpu.memory_space<hbm>>
        tpu.enqueue_dma source(%dma_start3A_123 : memref<2x88xi32, #tpu.memory_space<hbm>>) target(%arg7 : memref<2x88xi32, #tpu.memory_space<vmem>>) target_semaphore(%arg14 : memref<!tpu.dma_semaphore, #tpu.memory_space<semaphore_mem>>)
      } else {
      }
    }
    %scan3A_22 = arith.constant 38 : i32
    %barrier3A_23 = arith.constant 0 : index
    tpu.barrier barrier_id(%barrier3A_23)
    %mul3A_24 = arith.constant 640 : i32
    %mul3A_25 = arith.muli %arg1, %mul3A_24 : i32
    %mul3A_26 = arith.constant 640 : i32
    %mul3A_27 = arith.muli %arg1, %mul3A_26 : i32
    "tpu.region"() ({
      %run_scoped3A_28 = tpu.sem_alloc : memref<!tpu.dma_semaphore, #tpu.memory_space<semaphore_mem>>
      %dma_start3A_29 = arith.constant 0 : i32
      %dma_start3A_30 = tpu.memref_slice %arg5[%arg0, %mul3A_27, %dma_start3A_29] : memref<2x10240x144xf32, #tpu.memory_space<hbm>> -> memref<1x640x144xf32, #tpu.memory_space<hbm>>
      %dma_start3A_31 = tpu.memref_squeeze %dma_start3A_30 : memref<1x640x144xf32, #tpu.memory_space<hbm>> -> memref<640x144xf32, #tpu.memory_space<hbm>>
      %dma_start3A_32 = arith.constant 0 : i32
      %dma_start3A_33 = tpu.memref_slice %arg12[%mul3A_25, %dma_start3A_32] : memref<10240x144xf32, #tpu.memory_space<vmem_shared>> -> memref<640x144xf32, #tpu.memory_space<vmem_shared>>
      tpu.enqueue_dma source(%dma_start3A_33 : memref<640x144xf32, #tpu.memory_space<vmem_shared>>) target(%dma_start3A_31 : memref<640x144xf32, #tpu.memory_space<hbm>>) target_semaphore(%run_scoped3A_28 : memref<!tpu.dma_semaphore, #tpu.memory_space<semaphore_mem>>)
      %dma_wait3A = arith.constant 0 : i32
      %dma_wait3A_34 = tpu.memref_slice %arg5[%arg0, %mul3A_27, %dma_wait3A] : memref<2x10240x144xf32, #tpu.memory_space<hbm>> -> memref<1x640x144xf32, #tpu.memory_space<hbm>>
      %dma_wait3A_35 = tpu.memref_squeeze %dma_wait3A_34 : memref<1x640x144xf32, #tpu.memory_space<hbm>> -> memref<640x144xf32, #tpu.memory_space<hbm>>
      %dma_wait3A_36 = arith.constant 0 : i32
      %dma_wait3A_37 = tpu.memref_slice %arg12[%mul3A_25, %dma_wait3A_36] : memref<10240x144xf32, #tpu.memory_space<vmem_shared>> -> memref<640x144xf32, #tpu.memory_space<vmem_shared>>
      tpu.wait_dma2 semaphore(%run_scoped3A_28 : memref<!tpu.dma_semaphore, #tpu.memory_space<semaphore_mem>>) src(%dma_wait3A_37 : memref<640x144xf32, #tpu.memory_space<vmem_shared>>) dst(%dma_wait3A_35 : memref<640x144xf32, #tpu.memory_space<hbm>>)
      tpu.yield
    }) : () -> ()
    return
  }
}

module attributes {stable_mosaic.version = 14 : i64} {
  func.func @_tc1_body(%arg0: i32, %arg1: memref<1000x128xf32, #tpu.memory_space<vmem>>, %arg2: memref<128x128xf32, #tpu.memory_space<vmem>>, %arg3: memref<1x128xf32, #tpu.memory_space<vmem>>, %arg4: memref<1x128xf32, #tpu.memory_space<vmem>>, %arg5: memref<1000x144xf32, #tpu.memory_space<vmem>>) attributes {dimension_semantics = [#tpu.dimension_semantics<arbitrary>], iteration_bounds = array<i64: 10>, scalar_prefetch = 0 : i64, scratch_operands = 0 : i64, tpu.core_type = #tpu.core_type<tc>, window_params = [{transform_indices = @transform_0, window_bounds = array<i64: 1000, 128>}, {pipeline_mode = #tpu.pipeline_mode<synchronous>, transform_indices = @transform_1, window_bounds = array<i64: 128, 128>}, {pipeline_mode = #tpu.pipeline_mode<synchronous>, transform_indices = @transform_2, window_bounds = array<i64: 1, 128>}, {pipeline_mode = #tpu.pipeline_mode<synchronous>, transform_indices = @transform_3, window_bounds = array<i64: 1, 128>}, {transform_indices = @transform_4, window_bounds = array<i64: 1000, 144>}]} {
    %get3A = arith.constant 0 : index
    %get3A_0 = arith.constant 0 : index
    %get3A_1 = vector.load %arg1[%get3A, %get3A_0] : memref<1000x128xf32, #tpu.memory_space<vmem>>, vector<1000x128xf32>
    %get3A_2 = arith.constant 0 : index
    %get3A_3 = arith.constant 0 : index
    %get3A_4 = vector.load %arg2[%get3A_2, %get3A_3] : memref<128x128xf32, #tpu.memory_space<vmem>>, vector<128x128xf32>
    %dot_general3A = arith.constant dense<0.000000e+00> : vector<1000x128xf32>
    %dot_general3A_5 = tpu.matmul %get3A_1, %get3A_4, %dot_general3A {dimension_numbers = #tpu.dot_dimension_numbers<[1], [1], [0], [0], [0, 0, 1, 0], [], []>, transpose_lhs_hint = false} : vector<1000x128xf32>, vector<128x128xf32>, vector<1000x128xf32> -> vector<1000x128xf32>
    %get3A_6 = arith.constant 0 : index
    %get3A_7 = arith.constant 0 : index
    %get3A_8 = vector.load %arg3[%get3A_6, %get3A_7] : memref<1x128xf32, #tpu.memory_space<vmem>>, vector<1x128xf32>
    %add3A = vector.broadcast %get3A_8 : vector<1x128xf32> to vector<1000x128xf32>
    %add3A_9 = arith.addf %dot_general3A_5, %add3A : vector<1000x128xf32>
    %get3A_10 = arith.constant 0 : index
    %get3A_11 = arith.constant 0 : index
    %get3A_12 = vector.load %arg4[%get3A_10, %get3A_11] : memref<1x128xf32, #tpu.memory_space<vmem>>, vector<1x128xf32>
    %dot_general3A_13 = arith.constant dense<0.000000e+00> : vector<1000x1xf32>
    %dot_general3A_14 = tpu.matmul %add3A_9, %get3A_12, %dot_general3A_13 {dimension_numbers = #tpu.dot_dimension_numbers<[1], [1], [0], [0], [0, 0, 1, 0], [], []>, transpose_lhs_hint = false} : vector<1000x128xf32>, vector<1x128xf32>, vector<1000x1xf32> -> vector<1000x1xf32>
    %ge3A = arith.constant 0.000000e+00 : f32
    %ge3A_15 = vector.broadcast %ge3A : f32 to vector<1000x1xf32>
    %ge3A_16 = arith.cmpf oge, %dot_general3A_14, %ge3A_15 : vector<1000x1xf32>
    %mul3A = arith.constant 2.000000e-01 : f32
    %mul3A_17 = vector.broadcast %mul3A : f32 to vector<1000x1xf32>
    %mul3A_18 = arith.mulf %mul3A_17, %dot_general3A_14 : vector<1000x1xf32>
    %select_n3A = arith.select %ge3A_16, %dot_general3A_14, %mul3A_18 : vector<1000x1xi1>, vector<1000x1xf32>
    %exp3A = math.exp %select_n3A : vector<1000x1xf32>
    %mul3A_19 = vector.broadcast %exp3A : vector<1000x1xf32> to vector<1000x128xf32>
    %mul3A_20 = arith.mulf %add3A_9, %mul3A_19 : vector<1000x128xf32>
    %broadcast_in_dim3A = arith.constant 0.000000e+00 : f32
    %broadcast_in_dim3A_21 = vector.broadcast %broadcast_in_dim3A : f32 to vector<1000x15xf32>
    %concatenate3A = tpu.concatenate %mul3A_20, %exp3A, %broadcast_in_dim3A_21 in 1 : vector<1000x128xf32>, vector<1000x1xf32>, vector<1000x15xf32> -> vector<1000x144xf32>
    %swap3A = arith.constant 0 : index
    %swap3A_22 = arith.constant 0 : index
    %swap3A_23 = vector.load %arg5[%swap3A, %swap3A_22] : memref<1000x144xf32, #tpu.memory_space<vmem>>, vector<1000x144xf32>
    tpu.vector_store %arg5[%swap3A, %swap3A_22], %concatenate3A {strides = array<i32>} : memref<1000x144xf32, #tpu.memory_space<vmem>>, vector<1000x144xf32>,
    return
  }
  func.func @transform_0(%arg0: i32) -> (i32, i32) {
    %c0_i32 = arith.constant 0 : i32
    %c0_i32_0 = arith.constant 0 : i32
    return %arg0, %c0_i32 : i32, i32
  }
  func.func @transform_1(%arg0: i32) -> (i32, i32) {
    %c0_i32 = arith.constant 0 : i32
    %c0_i32_0 = arith.constant 0 : i32
    %c0_i32_1 = arith.constant 0 : i32
    return %c0_i32, %c0_i32_0 : i32, i32
  }
  func.func @transform_2(%arg0: i32) -> (i32, i32) {
    %c0_i32 = arith.constant 0 : i32
    %c0_i32_0 = arith.constant 0 : i32
    %c0_i32_1 = arith.constant 0 : i32
    return %c0_i32, %c0_i32_0 : i32, i32
  }
  func.func @transform_3(%arg0: i32) -> (i32, i32) {
    %c0_i32 = arith.constant 0 : i32
    %c0_i32_0 = arith.constant 0 : i32
    %c0_i32_1 = arith.constant 0 : i32
    return %c0_i32, %c0_i32_0 : i32, i32
  }
  func.func @transform_4(%arg0: i32) -> (i32, i32) {
    %c0_i32 = arith.constant 0 : i32
    %c0_i32_0 = arith.constant 0 : i32
    return %arg0, %c0_i32 : i32, i32
  }
}

module attributes {stable_mosaic.version = 14 : i64} {
  func.func @_tc2_body(%arg0: i32, %arg1: memref<2x1000x144xf32, #tpu.memory_space<vmem>>, %arg2: memref<1000x64xf32, #tpu.memory_space<vmem>>, %arg3: memref<128x192xf32, #tpu.memory_space<vmem>>, %arg4: memref<1x128xf32, #tpu.memory_space<vmem>>, %arg5: memref<1000x144xf32, #tpu.memory_space<vmem>>) attributes {dimension_semantics = [#tpu.dimension_semantics<arbitrary>], iteration_bounds = array<i64: 10>, scalar_prefetch = 0 : i64, scratch_operands = 0 : i64, tpu.core_type = #tpu.core_type<tc>, window_params = [{transform_indices = @transform_0, window_bounds = array<i64: 2, 1000, 144>}, {transform_indices = @transform_1, window_bounds = array<i64: 1000, 64>}, {pipeline_mode = #tpu.pipeline_mode<synchronous>, transform_indices = @transform_2, window_bounds = array<i64: 128, 192>}, {pipeline_mode = #tpu.pipeline_mode<synchronous>, transform_indices = @transform_3, window_bounds = array<i64: 1, 128>}, {transform_indices = @transform_4, window_bounds = array<i64: 1000, 144>}]} {
    %get3A = arith.constant 0 : index
    %get3A_0 = arith.constant 0 : index
    %get3A_1 = arith.constant 0 : index
    %get3A_2 = vector.load %arg1[%get3A, %get3A_0, %get3A_1] : memref<2x1000x144xf32, #tpu.memory_space<vmem>>, vector<1x1000x144xf32>
    %get3A_3 = vector.shape_cast %get3A_2 : vector<1x1000x144xf32> to vector<1000x144xf32>
    %get3A_4 = arith.constant 1 : index
    %get3A_5 = arith.constant 0 : index
    %get3A_6 = arith.constant 0 : index
    %get3A_7 = vector.load %arg1[%get3A_4, %get3A_5, %get3A_6] : memref<2x1000x144xf32, #tpu.memory_space<vmem>>, vector<1x1000x144xf32>
    %get3A_8 = vector.shape_cast %get3A_7 : vector<1x1000x144xf32> to vector<1000x144xf32>
    %add3A = arith.addf %get3A_3, %get3A_8 : vector<1000x144xf32>
    %slice3A = vector.extract_strided_slice %add3A {offsets = [0, 128], sizes = [1000, 1], strides = [1, 1]} : vector<1000x144xf32> to vector<1000x1xf32>
    %max3A = arith.constant 1.000000e-30 : f32
    %max3A_9 = vector.broadcast %max3A : f32 to vector<1000x1xf32>
    %max3A_10 = arith.maximumf %slice3A, %max3A_9 : vector<1000x1xf32>
    %slice3A_11 = vector.extract_strided_slice %add3A {offsets = [0, 0], sizes = [1000, 128], strides = [1, 1]} : vector<1000x144xf32> to vector<1000x128xf32>
    %div3A = vector.broadcast %max3A_10 : vector<1000x1xf32> to vector<1000x128xf32>
    %div3A_12 = arith.divf %slice3A_11, %div3A : vector<1000x128xf32>
    %gt3A = arith.constant 0.000000e+00 : f32
    %gt3A_13 = vector.broadcast %gt3A : f32 to vector<1000x128xf32>
    %gt3A_14 = arith.cmpf ogt, %div3A_12, %gt3A_13 : vector<1000x128xf32>
    %min3A = arith.constant 0.000000e+00 : f32
    %min3A_15 = vector.broadcast %min3A : f32 to vector<1000x128xf32>
    %min3A_16 = arith.minimumf %div3A_12, %min3A_15 : vector<1000x128xf32>
    %exp3A = math.exp %min3A_16 : vector<1000x128xf32>
    %sub3A = arith.constant 1.000000e+00 : f32
    %sub3A_17 = vector.broadcast %sub3A : f32 to vector<1000x128xf32>
    %sub3A_18 = arith.subf %exp3A, %sub3A_17 : vector<1000x128xf32>
    %select_n3A = arith.select %gt3A_14, %div3A_12, %sub3A_18 : vector<1000x128xi1>, vector<1000x128xf32>
    %get3A_19 = arith.constant 0 : index
    %get3A_20 = arith.constant 0 : index
    %get3A_21 = vector.load %arg2[%get3A_19, %get3A_20] : memref<1000x64xf32, #tpu.memory_space<vmem>>, vector<1000x64xf32>
    %concatenate3A = tpu.concatenate %select_n3A, %get3A_21 in 1 : vector<1000x128xf32>, vector<1000x64xf32> -> vector<1000x192xf32>
    %get3A_22 = arith.constant 0 : index
    %get3A_23 = arith.constant 0 : index
    %get3A_24 = vector.load %arg3[%get3A_22, %get3A_23] : memref<128x192xf32, #tpu.memory_space<vmem>>, vector<128x192xf32>
    %dot_general3A = arith.constant dense<0.000000e+00> : vector<1000x128xf32>
    %dot_general3A_25 = tpu.matmul %concatenate3A, %get3A_24, %dot_general3A {dimension_numbers = #tpu.dot_dimension_numbers<[1], [1], [0], [0], [0, 0, 1, 0], [], []>, transpose_lhs_hint = false} : vector<1000x192xf32>, vector<128x192xf32>, vector<1000x128xf32> -> vector<1000x128xf32>
    %get3A_26 = arith.constant 0 : index
    %get3A_27 = arith.constant 0 : index
    %get3A_28 = vector.load %arg4[%get3A_26, %get3A_27] : memref<1x128xf32, #tpu.memory_space<vmem>>, vector<1x128xf32>
    %add3A_29 = vector.broadcast %get3A_28 : vector<1x128xf32> to vector<1000x128xf32>
    %add3A_30 = arith.addf %dot_general3A_25, %add3A_29 : vector<1000x128xf32>
    %broadcast_in_dim3A = arith.constant 1.000000e+00 : f32
    %broadcast_in_dim3A_31 = vector.broadcast %broadcast_in_dim3A : f32 to vector<1000x1xf32>
    %broadcast_in_dim3A_32 = arith.constant 0.000000e+00 : f32
    %broadcast_in_dim3A_33 = vector.broadcast %broadcast_in_dim3A_32 : f32 to vector<1000x15xf32>
    %concatenate3A_34 = tpu.concatenate %add3A_30, %broadcast_in_dim3A_31, %broadcast_in_dim3A_33 in 1 : vector<1000x128xf32>, vector<1000x1xf32>, vector<1000x15xf32> -> vector<1000x144xf32>
    %swap3A = arith.constant 0 : index
    %swap3A_35 = arith.constant 0 : index
    %swap3A_36 = vector.load %arg5[%swap3A, %swap3A_35] : memref<1000x144xf32, #tpu.memory_space<vmem>>, vector<1000x144xf32>
    tpu.vector_store %arg5[%swap3A, %swap3A_35], %concatenate3A_34 {strides = array<i32>} : memref<1000x144xf32, #tpu.memory_space<vmem>>, vector<1000x144xf32>,
    return
  }
  func.func @transform_0(%arg0: i32) -> (i32, i32, i32) {
    %c0_i32 = arith.constant 0 : i32
    %c0_i32_0 = arith.constant 0 : i32
    %c0_i32_1 = arith.constant 0 : i32
    return %c0_i32, %arg0, %c0_i32_0 : i32, i32, i32
  }
  func.func @transform_1(%arg0: i32) -> (i32, i32) {
    %c0_i32 = arith.constant 0 : i32
    %c0_i32_0 = arith.constant 0 : i32
    return %arg0, %c0_i32 : i32, i32
  }
  func.func @transform_2(%arg0: i32) -> (i32, i32) {
    %c0_i32 = arith.constant 0 : i32
    %c0_i32_0 = arith.constant 0 : i32
    %c0_i32_1 = arith.constant 0 : i32
    return %c0_i32, %c0_i32_0 : i32, i32
  }
  func.func @transform_3(%arg0: i32) -> (i32, i32) {
    %c0_i32 = arith.constant 0 : i32
    %c0_i32_0 = arith.constant 0 : i32
    %c0_i32_1 = arith.constant 0 : i32
    return %c0_i32, %c0_i32_0 : i32, i32
  }
  func.func @transform_4(%arg0: i32) -> (i32, i32) {
    %c0_i32 = arith.constant 0 : i32
    %c0_i32_0 = arith.constant 0 : i32
    return %arg0, %c0_i32 : i32, i32
  }
}

module attributes {stable_mosaic.version = 14 : i64} {
  func.func @_tc3_body(%arg0: i32, %arg1: memref<2x1000x144xf32, #tpu.memory_space<vmem>>, %arg2: memref<1000x128xf32, #tpu.memory_space<vmem>>, %arg3: memref<128x128xf32, #tpu.memory_space<vmem>>, %arg4: memref<1x128xf32, #tpu.memory_space<vmem>>, %arg5: memref<1000x128xf32, #tpu.memory_space<vmem>>) attributes {dimension_semantics = [#tpu.dimension_semantics<arbitrary>], iteration_bounds = array<i64: 10>, scalar_prefetch = 0 : i64, scratch_operands = 0 : i64, tpu.core_type = #tpu.core_type<tc>, window_params = [{transform_indices = @transform_0, window_bounds = array<i64: 2, 1000, 144>}, {transform_indices = @transform_1, window_bounds = array<i64: 1000, 128>}, {pipeline_mode = #tpu.pipeline_mode<synchronous>, transform_indices = @transform_2, window_bounds = array<i64: 128, 128>}, {pipeline_mode = #tpu.pipeline_mode<synchronous>, transform_indices = @transform_3, window_bounds = array<i64: 1, 128>}, {transform_indices = @transform_4, window_bounds = array<i64: 1000, 128>}]} {
    %get3A = arith.constant 0 : index
    %get3A_0 = arith.constant 0 : index
    %get3A_1 = arith.constant 0 : index
    %get3A_2 = vector.load %arg1[%get3A, %get3A_0, %get3A_1] : memref<2x1000x144xf32, #tpu.memory_space<vmem>>, vector<1x1000x144xf32>
    %get3A_3 = vector.shape_cast %get3A_2 : vector<1x1000x144xf32> to vector<1000x144xf32>
    %get3A_4 = arith.constant 1 : index
    %get3A_5 = arith.constant 0 : index
    %get3A_6 = arith.constant 0 : index
    %get3A_7 = vector.load %arg1[%get3A_4, %get3A_5, %get3A_6] : memref<2x1000x144xf32, #tpu.memory_space<vmem>>, vector<1x1000x144xf32>
    %get3A_8 = vector.shape_cast %get3A_7 : vector<1x1000x144xf32> to vector<1000x144xf32>
    %add3A = arith.addf %get3A_3, %get3A_8 : vector<1000x144xf32>
    %slice3A = vector.extract_strided_slice %add3A {offsets = [0, 128], sizes = [1000, 1], strides = [1, 1]} : vector<1000x144xf32> to vector<1000x1xf32>
    %max3A = arith.constant 1.000000e+00 : f32
    %max3A_9 = vector.broadcast %max3A : f32 to vector<1000x1xf32>
    %max3A_10 = arith.maximumf %slice3A, %max3A_9 : vector<1000x1xf32>
    %slice3A_11 = vector.extract_strided_slice %add3A {offsets = [0, 0], sizes = [1000, 128], strides = [1, 1]} : vector<1000x144xf32> to vector<1000x128xf32>
    %div3A = vector.broadcast %max3A_10 : vector<1000x1xf32> to vector<1000x128xf32>
    %div3A_12 = arith.divf %slice3A_11, %div3A : vector<1000x128xf32>
    %gt3A = arith.constant 0.000000e+00 : f32
    %gt3A_13 = vector.broadcast %gt3A : f32 to vector<1000x128xf32>
    %gt3A_14 = arith.cmpf ogt, %div3A_12, %gt3A_13 : vector<1000x128xf32>
    %min3A = arith.constant 0.000000e+00 : f32
    %min3A_15 = vector.broadcast %min3A : f32 to vector<1000x128xf32>
    %min3A_16 = arith.minimumf %div3A_12, %min3A_15 : vector<1000x128xf32>
    %exp3A = math.exp %min3A_16 : vector<1000x128xf32>
    %sub3A = arith.constant 1.000000e+00 : f32
    %sub3A_17 = vector.broadcast %sub3A : f32 to vector<1000x128xf32>
    %sub3A_18 = arith.subf %exp3A, %sub3A_17 : vector<1000x128xf32>
    %select_n3A = arith.select %gt3A_14, %div3A_12, %sub3A_18 : vector<1000x128xi1>, vector<1000x128xf32>
    %get3A_19 = arith.constant 0 : index
    %get3A_20 = arith.constant 0 : index
    %get3A_21 = vector.load %arg2[%get3A_19, %get3A_20] : memref<1000x128xf32, #tpu.memory_space<vmem>>, vector<1000x128xf32>
    %get3A_22 = arith.constant 0 : index
    %get3A_23 = arith.constant 0 : index
    %get3A_24 = vector.load %arg3[%get3A_22, %get3A_23] : memref<128x128xf32, #tpu.memory_space<vmem>>, vector<128x128xf32>
    %dot_general3A = arith.constant dense<0.000000e+00> : vector<1000x128xf32>
    %dot_general3A_25 = tpu.matmul %get3A_21, %get3A_24, %dot_general3A {dimension_numbers = #tpu.dot_dimension_numbers<[1], [1], [0], [0], [0, 0, 1, 0], [], []>, transpose_lhs_hint = false} : vector<1000x128xf32>, vector<128x128xf32>, vector<1000x128xf32> -> vector<1000x128xf32>
    %get3A_26 = arith.constant 0 : index
    %get3A_27 = arith.constant 0 : index
    %get3A_28 = vector.load %arg4[%get3A_26, %get3A_27] : memref<1x128xf32, #tpu.memory_space<vmem>>, vector<1x128xf32>
    %add3A_29 = vector.broadcast %get3A_28 : vector<1x128xf32> to vector<1000x128xf32>
    %add3A_30 = arith.addf %dot_general3A_25, %add3A_29 : vector<1000x128xf32>
    %add3A_31 = arith.addf %select_n3A, %add3A_30 : vector<1000x128xf32>
    %swap3A = arith.constant 0 : index
    %swap3A_32 = arith.constant 0 : index
    %swap3A_33 = vector.load %arg5[%swap3A, %swap3A_32] : memref<1000x128xf32, #tpu.memory_space<vmem>>, vector<1000x128xf32>
    tpu.vector_store %arg5[%swap3A, %swap3A_32], %add3A_31 {strides = array<i32>} : memref<1000x128xf32, #tpu.memory_space<vmem>>, vector<1000x128xf32>,
    return
  }
  func.func @transform_0(%arg0: i32) -> (i32, i32, i32) {
    %c0_i32 = arith.constant 0 : i32
    %c0_i32_0 = arith.constant 0 : i32
    %c0_i32_1 = arith.constant 0 : i32
    return %c0_i32, %arg0, %c0_i32_0 : i32, i32, i32
  }
  func.func @transform_1(%arg0: i32) -> (i32, i32) {
    %c0_i32 = arith.constant 0 : i32
    %c0_i32_0 = arith.constant 0 : i32
    return %arg0, %c0_i32 : i32, i32
  }
  func.func @transform_2(%arg0: i32) -> (i32, i32) {
    %c0_i32 = arith.constant 0 : i32
    %c0_i32_0 = arith.constant 0 : i32
    %c0_i32_1 = arith.constant 0 : i32
    return %c0_i32, %c0_i32_0 : i32, i32
  }
  func.func @transform_3(%arg0: i32) -> (i32, i32) {
    %c0_i32 = arith.constant 0 : i32
    %c0_i32_0 = arith.constant 0 : i32
    %c0_i32_1 = arith.constant 0 : i32
    return %c0_i32, %c0_i32_0 : i32, i32
  }
  func.func @transform_4(%arg0: i32) -> (i32, i32) {
    %c0_i32 = arith.constant 0 : i32
    %c0_i32_0 = arith.constant 0 : i32
    return %arg0, %c0_i32 : i32, i32
  }
}

</mosaic_0001>

<sc_bundles>
// kernel: kernel.10.cloned.1.call-start
scs
__scs_entry_jumppad:
0x0: {  	(pc) =	sbr.rel $0x88, $3  }
0x1: {  	(tag) =	ssettag $0x0;
	lr =	simm.s32 $0x1  }
0x2: {  	[smem:$0x3F97] =	sst lr;
	_ =	strace $0xD0000000  }
0x3: {  	_ = 	snop  }
0x4: {  	_ = 	snop  }
0x5: {  	_ = 	snop  }
0x6: {  	_ = 	snop  }
0x7: {  	_ = 	snop  }
__scs_overlays_trampoline_lowered:
0x8: {  	[smem:$0x3FA6] =	sst s0  }
0x9: {  	[smem:$0x3FA7] =	sst s1  }
0xa: {  	[smem:$0x3FA8] =	sst s2  }
0xb: {  	[smem:$0x3FA9] =	sst s3  }
0xc: {  	[smem:$0x3FAA] =	sst s4  }
0xd: {  	[smem:$0x3FAB] =	sst s5  }
0xe: {  	[smem:$0x3FAC] =	sst s6  }
0xf: {  	[smem:$0x3FAD] =	sst s7  }
0x10: {  	[smem:$0x3FAE] =	sst s8  }
0x11: {  	[smem:$0x3FAF] =	sst s9;
	s0 =	simm.s32 @!p0 $0x0  }
0x12: {  	s1 =	sld [smem:$0x3F95];
	s0 =	simm.s32 @p0 $0x1  }
0x13: {  	[smem:$0x3FB0] =	sst s0;
	s0 =	simm.s32 @!p1 $0x0  }
0x14: {  	s2 =	sld [smem:$0x3F94];
	s0 =	simm.s32 @p1 $0x1  }
0x15: {  	[smem:$0x3FB1] =	sst s0;
	s0 =	simm.s32 @!p2 $0x0  }
0x16: {  	s3 =	sld [smem:$0x3FDB];
	s0 =	simm.s32 @p2 $0x1  }
0x17: {  	s4 =	simm.s32 $0x1BF5;
	[smem:$0x3FB3] =	sst s0  }
0x18: {  	s0 =	sld [smem:$0x3F96];
	_ =	swait.ge [sflag:s4], $0x0  }
0x19: {  	s7 =	sld [smem:$0x3F97]  }
0x1a: {  	s8 =	sadd.s32 $0xFFFFE003, lr  }
0x1b: {  	s9 =	sadd.s32 $0xFFFFFEF7, lr;
	s5 =	simm.s32 $0xFFFFFFFF;
	p2 =	slt.u32 s8, $0xFFFFF086  }
0x1c: {  	p1 =	slt.u32 s9, $0xF7A;
	s5 =	simm.s32 @!p2 $0x0  }
0x1d: {  	s5 =	simm.s32 @p1 $0x1;
	p0 =	seq.s32 s7, s2  }
0x1e: {  	s7 =	smul.u32 @!p0 $0xF7A, s2;
	p2 =	seq.s32 @!p0 s5, $0x0  }
0x1f: {  	s9 =	smul.u32 $0xF7A, s1;
	s8 =	simm.s32 @!p0 $0x1BF5;
	p2 =	por !p2, p0  }
0x20: {  	[sflag:s8] =	ssyncset.s32 @!p0 $0xFFFFF086;
	s6 =	sadd.s32 @!p0 s3, s7;
	s7 =	simm.s32 @!p0 $0x108  }
0x21: {  	s3 =	sadd.s32 s3, s9;
	s6 =	sadd.s32 @!p0 $0x88, s6;
	s7 =	simm.s32 @p2 $0x1082  }
0x22: {  	[simem:s7], [sflag:s8] =	dma.local @!p0 [hbm:s6], $0xF7A  }
0x23: {  	s9 =	sor.u32 $0xD0000000, s2;
	s6 =	simm.s32 $0x108;
	_ =	swait.ge @!p0 [sflag:s8], $0x0  }
0x24: {  	s3 =	sadd.s32 $0x88, s3;
	s6 =	simm.s32 @!p1 $0x1082;
	[sflag:s4] =	ssyncset.s32 $0xFFFFF086  }
0x25: {  	[simem:s6], [sflag:s4] =	dma.local [hbm:s3], $0xF7A  }
0x26: {  	[smem:$0x3F97] =	sst s1;
	(tag) =	ssettag s2;
	_ =	strace s9  }
0x27: {  	s1 =	sld [smem:$0x3FA7]  }
0x28: {  	s2 =	sld [smem:$0x3FA8]  }
0x29: {  	s4 =	sld [smem:$0x3FAA]  }
0x2a: {  	p0 =	seq.s32 s5, $0x0;
	s5 =	sld [smem:$0x3FAB]  }
0x2b: {  	s6 =	sld [smem:$0x3FAC]  }
0x2c: {  	s7 =	sld [smem:$0x3FAD]  }
0x2d: {  	s3 =	simm.s32 $0x108;
	s8 =	sld [smem:$0x3FAE]  }
0x2e: {  	s3 =	simm.s32 @!p0 $0x1082;
	s9 =	sld [smem:$0x3FAF]  }
0x2f: {  	lr =	sadd.s32 s0, s3;
	s0 =	sld [smem:$0x3FA6]  }
0x30: {  	s3 =	sld [smem:$0x3FA9]  }
0x31: {  	[smem:$0x3FB2] =	sst s10  }
0x32: {  	s10 =	sld [smem:$0x3FB0];
	_ =	sdelay $0x3  }
0x33: {  	p0 =	seq.s32 s10, $0x1;
	s10 =	sld [smem:$0x3FB2];
	_ =	sdelay $0x3  }
0x34: {  	[smem:$0x3FB2] =	sst s10  }
0x35: {  	s10 =	sld [smem:$0x3FB1];
	_ =	sdelay $0x3  }
0x36: {  	p1 =	seq.s32 s10, $0x1;
	s10 =	sld [smem:$0x3FB2];
	_ =	sdelay $0x3  }
0x37: {  	[smem:$0x3FB2] =	sst s10  }
0x38: {  	s10 =	sld [smem:$0x3FB3]  }
0x39: {  	_ = 	snop;
	(pc) =	sbr.ind lr, $3  }
0x3a: {  	_ = 	snop  }
0x3b: {  	_ = 	snop  }
0x3c: {  	p2 =	seq.s32 s10, $0x1;
	s10 =	sld [smem:$0x3FB2]  }
0x3d: {  	_ =	shalt  }
0x3e: {  	_ =	shalt  }
0x3f: {  	_ =	shalt  }
0x40: {  	_ =	shalt  }
0x41: {  	_ =	shalt  }
0x42: {  	_ =	shalt  }
0x43: {  	_ =	shalt  }
0x44: {  	_ =	shalt  }
0x45: {  	_ =	shalt  }
0x46: {  	_ =	shalt  }
0x47: {  	_ =	shalt  }
0x48: {  	_ =	shalt  }
0x49: {  	_ =	shalt  }
0x4a: {  	_ =	shalt  }
0x4b: {  	_ =	shalt  }
0x4c: {  	_ =	shalt  }
0x4d: {  	_ =	shalt  }
0x4e: {  	_ =	shalt  }
0x4f: {  	_ =	shalt  }
0x50: {  	_ =	shalt  }
0x51: {  	_ =	shalt  }
0x52: {  	_ =	shalt  }
0x53: {  	_ =	shalt  }
0x54: {  	_ =	shalt  }
0x55: {  	_ =	shalt  }
0x56: {  	_ =	shalt  }
0x57: {  	_ =	shalt  }
0x58: {  	_ =	shalt  }
0x59: {  	_ =	shalt  }
0x5a: {  	_ =	shalt  }
0x5b: {  	_ =	shalt  }
0x5c: {  	_ =	shalt  }
0x5d: {  	_ =	shalt  }
0x5e: {  	_ =	shalt  }
0x5f: {  	_ =	shalt  }
0x60: {  	_ =	shalt  }
0x61: {  	_ =	shalt  }
0x62: {  	_ =	shalt  }
0x63: {  	_ =	shalt  }
0x64: {  	_ =	shalt  }
0x65: {  	_ =	shalt  }
0x66: {  	_ =	shalt  }
0x67: {  	_ =	shalt  }
0x68: {  	_ =	shalt  }
0x69: {  	_ =	shalt  }
0x6a: {  	_ =	shalt  }
0x6b: {  	_ =	shalt  }
0x6c: {  	_ =	shalt  }
0x6d: {  	_ =	shalt  }
0x6e: {  	_ =	shalt  }
0x6f: {  	_ =	shalt  }
0x70: {  	_ =	shalt  }
0x71: {  	_ =	shalt  }
0x72: {  	_ =	shalt  }
0x73: {  	_ =	shalt  }
0x74: {  	_ =	shalt  }
0x75: {  	_ =	shalt  }
0x76: {  	_ =	shalt  }
0x77: {  	_ =	shalt  }
0x78: {  	_ =	shalt  }
0x79: {  	_ =	shalt  }
0x7a: {  	_ =	shalt  }
0x7b: {  	_ =	shalt  }
0x7c: {  	_ =	shalt  }
0x7d: {  	_ =	shalt  }
0x7e: {  	_ =	shalt  }
0x7f: {  	_ =	shalt  }
0x80: {  	_ =	shalt  }
0x81: {  	_ =	shalt  }
0x82: {  	_ =	shalt  }
0x83: {  	_ =	shalt  }
0x84: {  	_ =	shalt  }
0x85: {  	_ =	shalt  }
0x86: {  	_ =	shalt  }
0x87: {  	_ =	shalt  }
.Lfunc_end0:
.L_simem_size_0:
called_computation.1_lowered:
.L_overlay_start_0:
0x88: {  	s2 =	sld [smem:$0x3FD9]  }
0x89: {  	s3 =	sld [smem:$0x3FFE];
	_ =	sdelay $0x1  }
0x8a: {  	s1 =	srdreg.scid  }
0x8b: {  	s0 =	sand.u32 $0x1, s1  }
0x8c: {  	s16 =	sshll.u32 s0, $0xA;
	s2 =	sadd.s32 s3, s2  }
0x8d: {  	s2 =	sadd.s32 s2, s16  }
0x8e: {  	[smem:$0x3FBE] =	sst s2  }
0x8f: {  	_ = 	snop  }
0x90: {  	(tm) =	ssettm $0x1  }
0x91: {  	s17 =	sld [smem:$0x3FFB];
	_ =	sdelay $0x3  }
0x92: {  	_ =	strace s17  }
0x93: {  	s2 =	sld [smem:$0x3FFC];
	_ =	sdelay $0x3  }
0x94: {  	_ =	strace s2  }
0x95: {  	s2 =	sld [smem:$0x3FFD];
	_ =	sdelay $0x3  }
0x96: {  	_ =	strace s2  }
0x97: {  	_ =	strace $0x8FFFFFFF  }
0x98: {  	s18 =	sld [smem:$0x3FDB];
	_ =	sdelay $0x1  }
0x99: {  	s19 =	simm.s32 $_scs_section_size  }
0x9a: {  	s4 =	simm.s32 $_size__tile_overlayer_lowered;
	s5 =	simm.s32 $_tile_overlayer_lowered  }
0x9b: {  	s22 =	simm.s32 $0x1BFF;
	s21 =	sshll.u32 s5, $0x1;
	s2 =	sadd.s32 s19, s18  }
0x9c: {  	s6 =	simm.s32 $0x0;
	s20 =	sshll.u32 s4, $0x1;
	s4 =	sadd.s32 s21, s2  }
0x9d: {  	[timem:s6], [sflag:s22] =	dma.local [hbm:s4], s20  }
0x9e: {  	_ =	swait.ge [sflag:s22], s20  }
0x9f: {  	s3 =	ssub.s32 $0x0, s20;
	[sflag:s22] =	ssyncset.done $0x0  }
0xa0: {  	[sflag:s22] =	ssyncadd.s32 s3;
	_ =	sdelay $0x1  }
0xa1: {  	s23 =	simm.s32 $0x1B8B  }
0xa2: {  	_ =	swait.ge [sflag:s23], $0x1  }
0xa3: {  	[sflag:s23] =	ssyncset.done $0x0  }
0xa4: {  	s25 =	simm.s32 $0x1B8E;
	s24 =	sld [smem:$0x3FFE];
	[sflag:s23] =	ssyncadd.s32 $0xFFFFFFFF  }
0xa5: {  	s26 =	simm.s32 $execute0_lowered;
	[smem:$0x3FD2] =	sst s25  }
0xa6: {  	s4 =	sshll.u32 s26, $0x1;
	_ =	strace $0x80000049;
	[dreg:$0x1] =	wrdreg $0xFFFFFFFF  }
0xa7: {  	s28 =	simm.s32 $_size_execute0_lowered;
	s2 =	sadd.s32 s2, s4;
	[dreg:$0x0] =	wrdreg $0x0  }
0xa8: {  	s4 =	sshll.u32 s28, $0x1;
	[dreg:$0x2] =	wrdreg s2  }
0xa9: {  	[dreg:$0x3] =	wrdreg s4  }
0xaa: {  	[dreg:$0x4] =	wrdreg $0xC0  }
0xab: {  	_ =	task [dreg:s6], $0x5FFFF  }
0xac: {  	[dreg:$0x1] =	wrdreg $0xFFFFFFFF  }
0xad: {  	[dreg:$0x0] =	wrdreg $0x60  }
0xae: {  	[dreg:$0x2] =	wrdreg s24  }
0xaf: {  	[dreg:$0x3] =	wrdreg $0x96900  }
0xb0: {  	[dreg:$0x4] =	wrdreg $0x9  }
0xb1: {  	_ =	task.clear_ibuf [dreg:s6], $0x5FFFF;
	_ =	strace $0x90000049  }
0xb2: {  	s29 =	simm.s32 $0x9;
	_ =	strace $0x8000004B  }
0xb3: {  	_ =	swait.ge [sflag:s29], $0x1  }
0xb4: {  	[sflag:s29] =	ssyncadd.s32 $0xFFFFFFFF  }
0xb5: {  	_ =	strace $0x9000004B  }
0xb6: {  	_ =	sfence  }
0xb7: {  	s30 =	sld [smem:$0x0];
	_ =	sdelay $0x2  }
0xb8: {  	s31 =	sshll.u32 s1, $0xD;
	s1 =	sshrl.u32 s1, $0x2  }
0xb9: {  	s3 =	sand.u32 $0x4000, s31;
	s1 =	sadd.s32 s1, s30  }
0xba: {  	s0 =	sor.u32 s3, s0;
	s1 =	sshll.u32 s1, $0x11  }
0xbb: {  	s0 =	sor.u32 s1, s0  }
0xbc: {  	s0 =	sadd.s32 $0x8F2B, s0  }
0xbd: {  	[sflag:s0] =	ssyncadd.remote.s32 $0x1  }
0xbe: {  	_ =	sfence.sel $0xFFFF  }
0xbf: {  	[dreg:$0x0] =	wrdreg $0xFFFFFFFF;
	(pc) =	sbr.abs _section_cstart, $3  }
0xc0: {  	[dreg:$0x1] =	wrdreg $0xFFFFFFFF  }
0xc1: {  	_ =	task.clear_ibuf [dreg:s6], $0x2FFFF;
	_ =	strace $0x9FFFFFFF  }
0xc2: {  	(tm) =	ssettm $0x7FFFFFFF  }
0xc3: {  	_ =	shalt  }
tec
execute0_lowered:
.L_overlay_start_1:
0x0: {  	(tag) =	ssettag $0x1  }
0x1: {  	s0 =	rddreg [dreg:$0x0]  }
0x2: {  	s2 =	rddreg [dreg:$0x1]  }
0x3: {  	s1 =	srdreg.scid;
	s18 =	stileid.u32;
	s3 =	simm.s32 $0x0  }
0x4: {  	s15 =	simm.s32 $0x7;
	s16 =	simm.s32 $0x58;
	s17 =	simm.s32 $0x210  }
0x5: {  	s28 =	simm.s32 $0x5;
	s29 =	simm.s32 $0x108;
	s30 =	simm.s32 $0x1  }
0x6: {  	s31 =	simm.s32 $0x6;
	s1 =	sand.u32 $0x1, s1;
	s6 =	smul.u32 $0x16800, s18  }
0x7: {  	[smem:$0x7FF] =	sst s3;
	s4 =	sadd.s32 $0x1C00, s0;
	s10 =	smul.u32 $0x4E60, s18  }
0x8: {  	s9 =	sadd.s32 $0x2EC00, s0;
	s26 =	sshll.u32 s18, $0x6;
	s7 =	smul.u32 $0x168000, s1  }
0x9: {  	s5 =	sshll.u32 s1, $0x4;
	_ =	strace $0x8000004A;
	[dreg:$0x3] =	wrdreg s9  }
0xa: {  	s21 =	smul.u32 $0x4E600, s1;
	s1 =	ssub.s32 $0x2, s1;
	s19 =	sor.u32 $0x1C07, s26  }
0xb: {  	s26 =	simm.s32 $0x6510;
	s8 =	sor.u32 s18, s5;
	s5 =	sadd.s32 $0x8BA00, s0  }
0xc: {  	s11 =	sshrl.u32 s1, $0x1;
	s18 =	simm.s32 $0xB0;
	s7 =	sadd.s32 s6, s7  }
0xd: {  	s8 =	smul.u32 $0x4E60, s8;
	s1 =	ssub.s32 s1, s11;
	s22 =	sadd.s32 s10, s21  }
0xe: {  	s6 =	sadd.s32 s6, s2;
	s21 =	simm.s32 $0x2;
	s7 =	sshrl.u32 s7, $0x3  }
0xf: {  	s23 =	sadd.s32 $0x2C0, s22;
	s1 =	smax.u32 s1, $0x1;
	s24 =	sadd.s32 $0x160, s22  }
0x10: {  	s13 =	sadd.s32 $0x210, s22;
	s20 =	sshrl.u32 s6, $0x3;
	s22 =	simm.s32 $0x3390  }
0x11: {  	s8 =	sshrl.u32 s8, $0x3;
	s0 =	sadd.s32 s7, s0;
	[dreg:$0x6] =	wrdreg s1  }
0x12: {  	s25 =	sshrl.u32 s24, $0x3;
	s24 =	simm.s32 $0x4;
	s1 =	simm.s32 $0x0  }
0x13: {  	s7 =	sadd.s32 s5, s8;
	s0 =	sadd.s32 $0x31A00, s0;
	s14 =	sadd.s32 s25, s5  }
0x14: {  	s25 =	simm.s32 $0x3;
	s8 =	sadd.s32 $0x16, s7;
	[dreg:$0x5] =	wrdreg s0  }
0x15: {  	s0 =	sshrl.u32 s23, $0x3;
	s11 =	sadd.s32 $0x9B6, s7;
	s23 =	simm.s32 $0x160  }
0x16: {  	[dreg:$0x4] =	wrdreg s8;
	s12 =	sadd.s32 s0, s5;
	s0 =	simm.s32 $0x1B8  }
.LBB2_1:
0x17: {  	[tilespmem:s3], [sflag:$0x7] =	stream.linear.gather [hbm4b:s7+s3], $0xB0, $0x38;
	[tilespmem:$0x1FE90] =	vst v63  }
0x18: {  	_ =	swait.ge [sflag:s15], $0xB0  }
0x19: {  	[sflag:s15] =	ssyncset.done $0x0  }
0x1a: {  	s6 =	rddreg [dreg:$0x4];
	[sflag:s15] =	ssyncadd.s32 $0xFFFFFF50  }
0x1b: {  	[tilespmem:s17], [sflag:$0x4] =	stream.indirect.gather [hbm4b:s4+s16], $0x90, s3, s16, $0xb8;
	[tilespmem:$0x1FE90] =	vst v63  }
0x1c: {  	s8 =	rddreg [dreg:$0x3]  }
0x1d: {  	[tilespmem:s18], [sflag:$0x2] =	stream.linear.gather [hbm4b:s6+s3], $0xB0, $0x38;
	[tilespmem:$0x1FE90] =	vst v63  }
0x1e: {  	[spmem:s20], [sflag:s19] =	dma.local [hbm:s8], $0x2D00  }
0x1f: {  	_ =	swait.ge [sflag:s15], $0x2D00  }
0x20: {  	[sflag:s15] =	ssyncset.done $0x0  }
0x21: {  	[sflag:s15] =	ssyncadd.s32 $0xFFFFD300  }
0x22: {  	[bflag:$0x0] =	sbarrier.arrive $0xFFFF  }
0x23: {  	_ =	swait.ge [sflag:s21], $0xB0  }
0x24: {  	[sflag:s21] =	ssyncset.done $0x0  }
0x25: {  	[sflag:s21] =	ssyncadd.s32 $0xFFFFFF50  }
0x26: {  	[tilespmem:s22], [sflag:$0x5] =	stream.indirect.gather [hbm4b:s4+s16], $0x90, s18, s16, $0xb8;
	[tilespmem:$0x1FE90] =	vst v63  }
0x27: {  	s9 =	sadd.s32 $0x0, s14  }
0x28: {  	[tilespmem:s23], [sflag:$0x3] =	stream.linear.gather [hbm4b:s9+s3], $0xB0, $0x38;
	[tilespmem:$0x1FE90] =	vst v63  }
0x29: {  	_ =	swait.ge [sflag:s24], $0x3180  }
0x2a: {  	[sflag:s24] =	ssyncset.done $0x0  }
0x2b: {  	[sflag:s24] =	ssyncadd.s32 $0xFFFFCE80  }
0x2c: {  	[spmem:s2] =	stream.indirect.scatter.add.f32 [tilespmem:s17], [sflag:$0x7], $0x90, s16, s16, $0xb8;
	[tilespmem:$0x1FE90] =	vst v63  }
0x2d: {  	_ =	swait.ge [sflag:s15], $0x3180  }
0x2e: {  	s10 =	sshrl.u32 s13, $0x3;
	[sflag:s15] =	ssyncset.done $0x0  }
0x2f: {  	s6 =	sadd.s32 s5, s10;
	[sflag:s15] =	ssyncadd.s32 $0xFFFFCE80  }
0x30: {  	[tilespmem:s3], [sflag:$0x1] =	stream.linear.gather [hbm4b:s6+s3], $0xB0, $0x38;
	[tilespmem:$0x1FE90] =	vst v63  }
0x31: {  	_ =	swait.ge [sflag:s25], $0xB0  }
0x32: {  	[sflag:s25] =	ssyncset.done $0x0  }
0x33: {  	[sflag:s25] =	ssyncadd.s32 $0xFFFFFF50  }
0x34: {  	[tilespmem:s26], [sflag:$0x6] =	stream.indirect.gather [hbm4b:s4+s16], $0x90, s23, s16, $0xb8;
	[tilespmem:$0x1FE90] =	vst v63  }
0x35: {  	_ =	swait.ge [sflag:s28], $0x3180  }
0x36: {  	[sflag:s28] =	ssyncset.done $0x0  }
0x37: {  	[sflag:s28] =	ssyncadd.s32 $0xFFFFCE80  }
0x38: {  	[spmem:s2] =	stream.indirect.scatter.add.f32 [tilespmem:s22], [sflag:$0x7], $0x90, s29, s16, $0xb8;
	[tilespmem:$0x1FE90] =	vst v63  }
0x39: {  	_ =	swait.ge [sflag:s15], $0x3180  }
0x3a: {  	[sflag:s15] =	ssyncset.done $0x0  }
0x3b: {  	[sflag:s15] =	ssyncadd.s32 $0xFFFFCE80  }
0x3c: {  	_ =	swait.ge [sflag:s30], $0xB0  }
0x3d: {  	[sflag:s30] =	ssyncset.done $0x0  }
0x3e: {  	[sflag:s30] =	ssyncadd.s32 $0xFFFFFF50  }
0x3f: {  	[tilespmem:s17], [sflag:$0x4] =	stream.indirect.gather [hbm4b:s4+s16], $0x90, s3, s16, $0xb8;
	[tilespmem:$0x1FE90] =	vst v63  }
0x40: {  	_ =	swait.ge [sflag:s31], $0x3180  }
0x41: {  	[sflag:s31] =	ssyncset.done $0x0  }
0x42: {  	[sflag:s31] =	ssyncadd.s32 $0xFFFFCE80  }
0x43: {  	[spmem:s2] =	stream.indirect.scatter.add.f32 [tilespmem:s26], [sflag:$0x7], $0x90, s0, s16, $0xb8;
	[tilespmem:$0x1FE90] =	vst v63  }
0x44: {  	_ =	swait.ge [sflag:s15], $0x3180  }
0x45: {  	s8 =	sadd.s32 $0x210, s13;
	[sflag:s15] =	ssyncset.done $0x0  }
0x46: {  	s9 =	sadd.s32 $0x0, s12;
	s6 =	simm.s32 $0x42;
	[sflag:s15] =	ssyncadd.s32 $0xFFFFCE80  }
.LBB2_2:
0x47: {  	[tilespmem:s18], [sflag:$0x2] =	stream.linear.gather [hbm4b:s9+s3], $0xB0, $0x38;
	[tilespmem:$0x1FE90] =	vst v63  }
0x48: {  	s9 =	smov.u32 s6  }
0x49: {  	p0 =	sne.s32 s6, $0x948;
	s6 =	sadd.s32 $0x42, s6;
	_ =	swait.ge [sflag:s21], $0xB0  }
0x4a: {  	[sflag:s21] =	ssyncset.done $0x0  }
0x4b: {  	[sflag:s21] =	ssyncadd.s32 $0xFFFFFF50  }
0x4c: {  	[tilespmem:s22], [sflag:$0x5] =	stream.indirect.gather [hbm4b:s4+s16], $0x90, s18, s16, $0xb8;
	[tilespmem:$0x1FE90] =	vst v63  }
0x4d: {  	s10 =	sadd.s32 s9, s14  }
0x4e: {  	[tilespmem:s23], [sflag:$0x3] =	stream.linear.gather [hbm4b:s10+s3], $0xB0, $0x38;
	[tilespmem:$0x1FE90] =	vst v63  }
0x4f: {  	_ =	swait.ge [sflag:s24], $0x3180  }
0x50: {  	[sflag:s24] =	ssyncset.done $0x0  }
0x51: {  	[sflag:s24] =	ssyncadd.s32 $0xFFFFCE80  }
0x52: {  	[spmem:s2] =	stream.indirect.scatter.add.f32 [tilespmem:s17], [sflag:$0x7], $0x90, s16, s16, $0xb8;
	[tilespmem:$0x1FE90] =	vst v63  }
0x53: {  	_ =	swait.ge [sflag:s15], $0x3180  }
0x54: {  	s10 =	sshrl.u32 s8, $0x3;
	[sflag:s15] =	ssyncset.done $0x0  }
0x55: {  	s10 =	sadd.s32 s5, s10;
	[sflag:s15] =	ssyncadd.s32 $0xFFFFCE80  }
0x56: {  	[tilespmem:s3], [sflag:$0x1] =	stream.linear.gather [hbm4b:s10+s3], $0xB0, $0x38;
	[tilespmem:$0x1FE90] =	vst v63  }
0x57: {  	_ =	swait.ge [sflag:s25], $0xB0  }
0x58: {  	[sflag:s25] =	ssyncset.done $0x0  }
0x59: {  	[sflag:s25] =	ssyncadd.s32 $0xFFFFFF50  }
0x5a: {  	[tilespmem:s26], [sflag:$0x6] =	stream.indirect.gather [hbm4b:s4+s16], $0x90, s23, s16, $0xb8;
	[tilespmem:$0x1FE90] =	vst v63  }
0x5b: {  	_ =	swait.ge [sflag:s28], $0x3180  }
0x5c: {  	[sflag:s28] =	ssyncset.done $0x0  }
0x5d: {  	[sflag:s28] =	ssyncadd.s32 $0xFFFFCE80  }
0x5e: {  	[spmem:s2] =	stream.indirect.scatter.add.f32 [tilespmem:s22], [sflag:$0x7], $0x90, s29, s16, $0xb8;
	[tilespmem:$0x1FE90] =	vst v63  }
0x5f: {  	_ =	swait.ge [sflag:s15], $0x3180  }
0x60: {  	[sflag:s15] =	ssyncset.done $0x0  }
0x61: {  	[sflag:s15] =	ssyncadd.s32 $0xFFFFCE80  }
0x62: {  	_ =	swait.ge [sflag:s30], $0xB0  }
0x63: {  	[sflag:s30] =	ssyncset.done $0x0  }
0x64: {  	[sflag:s30] =	ssyncadd.s32 $0xFFFFFF50  }
0x65: {  	[tilespmem:s17], [sflag:$0x4] =	stream.indirect.gather [hbm4b:s4+s16], $0x90, s3, s16, $0xb8;
	[tilespmem:$0x1FE90] =	vst v63  }
0x66: {  	_ =	swait.ge [sflag:s31], $0x3180  }
0x67: {  	[sflag:s31] =	ssyncset.done $0x0  }
.Ltmp0:
0x68: {  	[sflag:s31] =	ssyncadd.s32 $0xFFFFCE80;
	(pc) =	sbr.rel @p0 .LBB2_2-.Ltmp0, $4  }
0x69: {  	[spmem:s2] =	stream.indirect.scatter.add.f32 [tilespmem:s26], [sflag:$0x7], $0x90, s0, s16, $0xb8;
	[tilespmem:$0x1FE90] =	vst v63  }
0x6a: {  	_ =	swait.ge [sflag:s15], $0x3180  }
0x6b: {  	[sflag:s15] =	ssyncset.done $0x0  }
0x6c: {  	s9 =	sadd.s32 s9, s12;
	s8 =	sadd.s32 $0x210, s8;
	[sflag:s15] =	ssyncadd.s32 $0xFFFFCE80  }
0x6d: {  	[tilespmem:s18], [sflag:$0x2] =	stream.linear.gather [hbm4b:s9+s3], $0xB0, $0x38;
	[tilespmem:$0x1FE90] =	vst v63  }
0x6e: {  	_ =	swait.ge [sflag:s21], $0xB0  }
0x6f: {  	[sflag:s21] =	ssyncset.done $0x0  }
0x70: {  	[sflag:s21] =	ssyncadd.s32 $0xFFFFFF50  }
0x71: {  	[tilespmem:s22], [sflag:$0x5] =	stream.indirect.gather [hbm4b:s4+s16], $0x90, s18, s16, $0xb8;
	[tilespmem:$0x1FE90] =	vst v63  }
0x72: {  	_ = 	snop  }
0x73: {  	[tilespmem:s23], [sflag:$0x3] =	stream.linear.gather [hbm4b:s11+s3], $0xB0, $0x38;
	[tilespmem:$0x1FE90] =	vst v63  }
0x74: {  	_ =	swait.ge [sflag:s24], $0x3180  }
0x75: {  	[sflag:s24] =	ssyncset.done $0x0  }
0x76: {  	[sflag:s24] =	ssyncadd.s32 $0xFFFFCE80  }
0x77: {  	[spmem:s2] =	stream.indirect.scatter.add.f32 [tilespmem:s17], [sflag:$0x7], $0x90, s16, s16, $0xb8;
	[tilespmem:$0x1FE90] =	vst v63  }
0x78: {  	_ =	swait.ge [sflag:s15], $0x3180  }
0x79: {  	[sflag:s15] =	ssyncset.done $0x0  }
0x7a: {  	[sflag:s15] =	ssyncadd.s32 $0xFFFFCE80  }
0x7b: {  	_ =	swait.ge [sflag:s25], $0xB0  }
0x7c: {  	[sflag:s25] =	ssyncset.done $0x0  }
0x7d: {  	[sflag:s25] =	ssyncadd.s32 $0xFFFFFF50  }
0x7e: {  	[tilespmem:s26], [sflag:$0x6] =	stream.indirect.gather [hbm4b:s4+s16], $0x90, s23, s16, $0xb8;
	[tilespmem:$0x1FE90] =	vst v63  }
0x7f: {  	_ =	swait.ge [sflag:s28], $0x3180  }
0x80: {  	[sflag:s28] =	ssyncset.done $0x0  }
0x81: {  	[sflag:s28] =	ssyncadd.s32 $0xFFFFCE80  }
0x82: {  	[spmem:s2] =	stream.indirect.scatter.add.f32 [tilespmem:s22], [sflag:$0x7], $0x90, s29, s16, $0xb8;
	[tilespmem:$0x1FE90] =	vst v63  }
0x83: {  	_ =	swait.ge [sflag:s15], $0x3180  }
0x84: {  	[sflag:s15] =	ssyncset.done $0x0  }
0x85: {  	[sflag:s15] =	ssyncadd.s32 $0xFFFFCE80  }
0x86: {  	_ =	swait.ge [sflag:s31], $0x3180  }
0x87: {  	[sflag:s31] =	ssyncset.done $0x0  }
0x88: {  	[sflag:s31] =	ssyncadd.s32 $0xFFFFCE80  }
0x89: {  	[spmem:s2] =	stream.indirect.scatter.add.f32 [tilespmem:s26], [sflag:$0x7], $0x90, s0, s16, $0xb8;
	[tilespmem:$0x1FE90] =	vst v63  }
0x8a: {  	_ =	swait.ge [sflag:s15], $0x3180  }
0x8b: {  	[sflag:s15] =	ssyncset.done $0x0  }
0x8c: {  	[sflag:s15] =	ssyncadd.s32 $0xFFFFCE80  }
0x8d: {  	[bflag:$0x0] =	sbarrier.arrive $0xFFFF  }
0x8e: {  	s6 =	rddreg [dreg:$0x5]  }
0x8f: {  	[hbm:s6], [sflag:s19] =	dma.local [spmem:s20], $0x2D00  }
0x90: {  	_ =	swait.ge [sflag:s15], $0x2D00  }
0x91: {  	s1 =	sadd.s32 $0x1, s1;
	s10 =	rddreg [dreg:$0x6]  }
0x92: {  	p0 =	sne.s32 s1, s10  }
.Ltmp1:
0x93: {  	_ = 	snop;
	(pc) =	sbr.rel @p0 .LBB2_1-.Ltmp1, $3  }
0x94: {  	_ =	sdelay $0x1  }
0x95: {  	[sflag:s15] =	ssyncset.done $0x0  }
0x96: {  	[sflag:s15] =	ssyncadd.s32 $0xFFFFD300  }
0x97: {  	_ =	sfence.sel $0x180000  }
0x98: {  	[bflag:$0x0] =	sbarrier.arrive $0xFFFF  }
0x99: {  	_ =	strace $0x9000004A  }
0x9a: {  	s0 =	stileid.u32;
	[bflag:$0x2] =	sbarrier.arrive $0xFFFF  }
0x9b: {  	p0 =	sne.s32 s0, $0x0;
	s0 =	rddreg [dreg:$0x2]  }
0x9c: {  	s0 =	sadd.s32 @!p0 $0x100000, s0  }
0x9d: {  	[sflag:s0] =	ssyncadd.tile.s32 @!p0 $0x1;
	_ =	shalt  }
.Lfunc_end2:
_tile_overlayer_lowered:
.L_overlay_start_2:
0x9e: {  	(tag) =	ssettag $0x2  }
0x9f: {  	s0 =	rddreg [dreg:$0x0];
	s2 =	stileid.u32  }
0xa0: {  	s1 =	rddreg [dreg:$0x1];
	p0 =	sne.s32 s2, $0x0  }
0xa1: {  	s3 =	rddreg [dreg:$0x2];
	[bflag:$0x3] =	sbarrier.arrive $0xFFFF;
	s2 =	simm.s32 @!p0 $0x1C07  }
0xa2: {  	[timem:s3], [sflag:s2] =	dma.local @!p0 [hbm:s0], s1  }
0xa3: {  	s0 =	simm.s32 @!p0 $0x7  }
0xa4: {  	_ =	swait.ge @!p0 [sflag:s0], s1  }
0xa5: {  	s1 =	ssub.s32 @!p0 $0x0, s1;
	[sflag:s0] =	ssyncset.done @!p0 $0x0  }
0xa6: {  	[sflag:s0] =	ssyncadd.s32 @!p0 s1  }
0xa7: {  	[bflag:$0x3] =	sbarrier.arrive $0xFFFF  }
0xa8: {  	_ =	shalt  }

// kernel: kernel.7.cloned.1.call-start
scs
__scs_entry_jumppad:
0x0: {  	(pc) =	sbr.rel $0x88, $3  }
0x1: {  	(tag) =	ssettag $0x0;
	lr =	simm.s32 $0x1  }
0x2: {  	[smem:$0x3F97] =	sst lr;
	_ =	strace $0xD0000000  }
0x3: {  	_ = 	snop  }
0x4: {  	_ = 	snop  }
0x5: {  	_ = 	snop  }
0x6: {  	_ = 	snop  }
0x7: {  	_ = 	snop  }
__scs_overlays_trampoline_lowered:
0x8: {  	[smem:$0x3FA6] =	sst s0  }
0x9: {  	[smem:$0x3FA7] =	sst s1  }
0xa: {  	[smem:$0x3FA8] =	sst s2  }
0xb: {  	[smem:$0x3FA9] =	sst s3  }
0xc: {  	[smem:$0x3FAA] =	sst s4  }
0xd: {  	[smem:$0x3FAB] =	sst s5  }
0xe: {  	[smem:$0x3FAC] =	sst s6  }
0xf: {  	[smem:$0x3FAD] =	sst s7  }
0x10: {  	[smem:$0x3FAE] =	sst s8  }
0x11: {  	[smem:$0x3FAF] =	sst s9;
	s0 =	simm.s32 @!p0 $0x0  }
0x12: {  	s1 =	sld [smem:$0x3F95];
	s0 =	simm.s32 @p0 $0x1  }
0x13: {  	[smem:$0x3FB0] =	sst s0;
	s0 =	simm.s32 @!p1 $0x0  }
0x14: {  	s2 =	sld [smem:$0x3F94];
	s0 =	simm.s32 @p1 $0x1  }
0x15: {  	[smem:$0x3FB1] =	sst s0;
	s0 =	simm.s32 @!p2 $0x0  }
0x16: {  	s3 =	sld [smem:$0x3FDB];
	s0 =	simm.s32 @p2 $0x1  }
0x17: {  	s4 =	simm.s32 $0x1BF5;
	[smem:$0x3FB3] =	sst s0  }
0x18: {  	s0 =	sld [smem:$0x3F96];
	_ =	swait.ge [sflag:s4], $0x0  }
0x19: {  	s7 =	sld [smem:$0x3F97]  }
0x1a: {  	s8 =	sadd.s32 $0xFFFFE003, lr  }
0x1b: {  	s9 =	sadd.s32 $0xFFFFFEF7, lr;
	s5 =	simm.s32 $0xFFFFFFFF;
	p2 =	slt.u32 s8, $0xFFFFF086  }
0x1c: {  	p1 =	slt.u32 s9, $0xF7A;
	s5 =	simm.s32 @!p2 $0x0  }
0x1d: {  	s5 =	simm.s32 @p1 $0x1;
	p0 =	seq.s32 s7, s2  }
0x1e: {  	s7 =	smul.u32 @!p0 $0xF7A, s2;
	p2 =	seq.s32 @!p0 s5, $0x0  }
0x1f: {  	s9 =	smul.u32 $0xF7A, s1;
	s8 =	simm.s32 @!p0 $0x1BF5;
	p2 =	por !p2, p0  }
0x20: {  	[sflag:s8] =	ssyncset.s32 @!p0 $0xFFFFF086;
	s6 =	sadd.s32 @!p0 s3, s7;
	s7 =	simm.s32 @!p0 $0x108  }
0x21: {  	s3 =	sadd.s32 s3, s9;
	s6 =	sadd.s32 @!p0 $0x88, s6;
	s7 =	simm.s32 @p2 $0x1082  }
0x22: {  	[simem:s7], [sflag:s8] =	dma.local @!p0 [hbm:s6], $0xF7A  }
0x23: {  	s9 =	sor.u32 $0xD0000000, s2;
	s6 =	simm.s32 $0x108;
	_ =	swait.ge @!p0 [sflag:s8], $0x0  }
0x24: {  	s3 =	sadd.s32 $0x88, s3;
	s6 =	simm.s32 @!p1 $0x1082;
	[sflag:s4] =	ssyncset.s32 $0xFFFFF086  }
0x25: {  	[simem:s6], [sflag:s4] =	dma.local [hbm:s3], $0xF7A  }
0x26: {  	[smem:$0x3F97] =	sst s1;
	(tag) =	ssettag s2;
	_ =	strace s9  }
0x27: {  	s1 =	sld [smem:$0x3FA7]  }
0x28: {  	s2 =	sld [smem:$0x3FA8]  }
0x29: {  	s4 =	sld [smem:$0x3FAA]  }
0x2a: {  	p0 =	seq.s32 s5, $0x0;
	s5 =	sld [smem:$0x3FAB]  }
0x2b: {  	s6 =	sld [smem:$0x3FAC]  }
0x2c: {  	s7 =	sld [smem:$0x3FAD]  }
0x2d: {  	s3 =	simm.s32 $0x108;
	s8 =	sld [smem:$0x3FAE]  }
0x2e: {  	s3 =	simm.s32 @!p0 $0x1082;
	s9 =	sld [smem:$0x3FAF]  }
0x2f: {  	lr =	sadd.s32 s0, s3;
	s0 =	sld [smem:$0x3FA6]  }
0x30: {  	s3 =	sld [smem:$0x3FA9]  }
0x31: {  	[smem:$0x3FB2] =	sst s10  }
0x32: {  	s10 =	sld [smem:$0x3FB0];
	_ =	sdelay $0x3  }
0x33: {  	p0 =	seq.s32 s10, $0x1;
	s10 =	sld [smem:$0x3FB2];
	_ =	sdelay $0x3  }
0x34: {  	[smem:$0x3FB2] =	sst s10  }
0x35: {  	s10 =	sld [smem:$0x3FB1];
	_ =	sdelay $0x3  }
0x36: {  	p1 =	seq.s32 s10, $0x1;
	s10 =	sld [smem:$0x3FB2];
	_ =	sdelay $0x3  }
0x37: {  	[smem:$0x3FB2] =	sst s10  }
0x38: {  	s10 =	sld [smem:$0x3FB3]  }
0x39: {  	_ = 	snop;
	(pc) =	sbr.ind lr, $3  }
0x3a: {  	_ = 	snop  }
0x3b: {  	_ = 	snop  }
0x3c: {  	p2 =	seq.s32 s10, $0x1;
	s10 =	sld [smem:$0x3FB2]  }
0x3d: {  	_ =	shalt  }
0x3e: {  	_ =	shalt  }
0x3f: {  	_ =	shalt  }
0x40: {  	_ =	shalt  }
0x41: {  	_ =	shalt  }
0x42: {  	_ =	shalt  }
0x43: {  	_ =	shalt  }
0x44: {  	_ =	shalt  }
0x45: {  	_ =	shalt  }
0x46: {  	_ =	shalt  }
0x47: {  	_ =	shalt  }
0x48: {  	_ =	shalt  }
0x49: {  	_ =	shalt  }
0x4a: {  	_ =	shalt  }
0x4b: {  	_ =	shalt  }
0x4c: {  	_ =	shalt  }
0x4d: {  	_ =	shalt  }
0x4e: {  	_ =	shalt  }
0x4f: {  	_ =	shalt  }
0x50: {  	_ =	shalt  }
0x51: {  	_ =	shalt  }
0x52: {  	_ =	shalt  }
0x53: {  	_ =	shalt  }
0x54: {  	_ =	shalt  }
0x55: {  	_ =	shalt  }
0x56: {  	_ =	shalt  }
0x57: {  	_ =	shalt  }
0x58: {  	_ =	shalt  }
0x59: {  	_ =	shalt  }
0x5a: {  	_ =	shalt  }
0x5b: {  	_ =	shalt  }
0x5c: {  	_ =	shalt  }
0x5d: {  	_ =	shalt  }
0x5e: {  	_ =	shalt  }
0x5f: {  	_ =	shalt  }
0x60: {  	_ =	shalt  }
0x61: {  	_ =	shalt  }
0x62: {  	_ =	shalt  }
0x63: {  	_ =	shalt  }
0x64: {  	_ =	shalt  }
0x65: {  	_ =	shalt  }
0x66: {  	_ =	shalt  }
0x67: {  	_ =	shalt  }
0x68: {  	_ =	shalt  }
0x69: {  	_ =	shalt  }
0x6a: {  	_ =	shalt  }
0x6b: {  	_ =	shalt  }
0x6c: {  	_ =	shalt  }
0x6d: {  	_ =	shalt  }
0x6e: {  	_ =	shalt  }
0x6f: {  	_ =	shalt  }
0x70: {  	_ =	shalt  }
0x71: {  	_ =	shalt  }
0x72: {  	_ =	shalt  }
0x73: {  	_ =	shalt  }
0x74: {  	_ =	shalt  }
0x75: {  	_ =	shalt  }
0x76: {  	_ =	shalt  }
0x77: {  	_ =	shalt  }
0x78: {  	_ =	shalt  }
0x79: {  	_ =	shalt  }
0x7a: {  	_ =	shalt  }
0x7b: {  	_ =	shalt  }
0x7c: {  	_ =	shalt  }
0x7d: {  	_ =	shalt  }
0x7e: {  	_ =	shalt  }
0x7f: {  	_ =	shalt  }
0x80: {  	_ =	shalt  }
0x81: {  	_ =	shalt  }
0x82: {  	_ =	shalt  }
0x83: {  	_ =	shalt  }
0x84: {  	_ =	shalt  }
0x85: {  	_ =	shalt  }
0x86: {  	_ =	shalt  }
0x87: {  	_ =	shalt  }
.Lfunc_end0:
.L_simem_size_0:
called_computation_lowered:
.L_overlay_start_0:
0x88: {  	s2 =	sld [smem:$0x3FD9]  }
0x89: {  	s3 =	sld [smem:$0x3FFE];
	_ =	sdelay $0x1  }
0x8a: {  	s1 =	srdreg.scid  }
0x8b: {  	s0 =	sand.u32 $0x1, s1  }
0x8c: {  	s17 =	sshll.u32 s0, $0xA;
	s2 =	sadd.s32 s3, s2  }
0x8d: {  	s2 =	sadd.s32 s2, s17  }
0x8e: {  	[smem:$0x3FBE] =	sst s2  }
0x8f: {  	_ = 	snop  }
0x90: {  	s2 =	sld [smem:$0x3FD0];
	(tm) =	ssettm $0x1  }
0x91: {  	s18 =	sld [smem:$0x3FFB];
	_ =	sdelay $0x3  }
0x92: {  	_ =	strace s18  }
0x93: {  	s3 =	sld [smem:$0x3FFC];
	_ =	sdelay $0x3  }
0x94: {  	_ =	strace s3  }
0x95: {  	s3 =	sld [smem:$0x3FFD];
	_ =	sdelay $0x3  }
0x96: {  	_ =	strace s3  }
0x97: {  	_ =	strace $0x8FFFFFFF  }
0x98: {  	s19 =	sld [smem:$0x3FDB];
	_ =	sdelay $0x1  }
0x99: {  	s4 =	simm.s32 $_scs_section_size  }
0x9a: {  	s5 =	simm.s32 $_size__tile_overlayer_lowered;
	s6 =	simm.s32 $_tile_overlayer_lowered  }
0x9b: {  	s22 =	simm.s32 $0x1BFF;
	s21 =	sshll.u32 s6, $0x1;
	s3 =	sadd.s32 s4, s19  }
0x9c: {  	s7 =	simm.s32 $0x0;
	s20 =	sshll.u32 s5, $0x1;
	s5 =	sadd.s32 s21, s3  }
0x9d: {  	[timem:s7], [sflag:s22] =	dma.local [hbm:s5], s20  }
0x9e: {  	_ =	swait.ge [sflag:s22], s20  }
0x9f: {  	s4 =	ssub.s32 $0x0, s20;
	[sflag:s22] =	ssyncset.done $0x0  }
0xa0: {  	[sflag:s22] =	ssyncadd.s32 s4;
	_ =	sdelay $0x1  }
0xa1: {  	s23 =	simm.s32 $0x1B8B  }
0xa2: {  	_ =	swait.ge [sflag:s23], $0x1  }
0xa3: {  	[sflag:s23] =	ssyncset.done $0x0  }
0xa4: {  	s25 =	simm.s32 $0x1B8E;
	s24 =	sld [smem:$0x3FFE];
	[sflag:s23] =	ssyncadd.s32 $0xFFFFFFFF  }
0xa5: {  	s26 =	simm.s32 $execute0_lowered;
	[smem:$0x3FD2] =	sst s25  }
0xa6: {  	s5 =	sshll.u32 s26, $0x1;
	_ =	strace $0x80000046;
	[dreg:$0x1] =	wrdreg $0xFFFFFFFF  }
0xa7: {  	s28 =	simm.s32 $_size_execute0_lowered;
	s3 =	sadd.s32 s3, s5;
	[dreg:$0x0] =	wrdreg $0x0  }
0xa8: {  	s5 =	sshll.u32 s28, $0x1;
	[dreg:$0x2] =	wrdreg s3  }
0xa9: {  	[dreg:$0x3] =	wrdreg s5  }
0xaa: {  	[dreg:$0x4] =	wrdreg $0xC0  }
0xab: {  	_ =	task [dreg:s7], $0x5FFFF  }
0xac: {  	[dreg:$0x1] =	wrdreg $0xFFFFFFFF  }
0xad: {  	[dreg:$0x0] =	wrdreg $0x60  }
0xae: {  	[dreg:$0x2] =	wrdreg s24  }
0xaf: {  	[dreg:$0x3] =	wrdreg s2  }
0xb0: {  	[dreg:$0x4] =	wrdreg $0x96900  }
0xb1: {  	[dreg:$0x5] =	wrdreg $0x9  }
0xb2: {  	_ =	task.clear_ibuf [dreg:s7], $0x6FFFF;
	_ =	strace $0x90000046  }
0xb3: {  	s29 =	simm.s32 $0x9;
	_ =	strace $0x80000048  }
0xb4: {  	_ =	swait.ge [sflag:s29], $0x1  }
0xb5: {  	[sflag:s29] =	ssyncadd.s32 $0xFFFFFFFF  }
0xb6: {  	_ =	strace $0x90000048  }
0xb7: {  	_ =	sfence  }
0xb8: {  	s30 =	sld [smem:$0x0];
	_ =	sdelay $0x2  }
0xb9: {  	s31 =	sshll.u32 s1, $0xD;
	s1 =	sshrl.u32 s1, $0x2  }
0xba: {  	s3 =	sand.u32 $0x4000, s31;
	s1 =	sadd.s32 s1, s30  }
0xbb: {  	s0 =	sor.u32 s3, s0;
	s1 =	sshll.u32 s1, $0x11  }
0xbc: {  	s0 =	sor.u32 s1, s0  }
0xbd: {  	s0 =	sadd.s32 $0x8F2B, s0  }
0xbe: {  	[sflag:s0] =	ssyncadd.remote.s32 $0x1  }
0xbf: {  	_ =	sfence.sel $0xFFFF  }
0xc0: {  	[dreg:$0x0] =	wrdreg $0xFFFFFFFF;
	(pc) =	sbr.abs _section_cstart, $3  }
0xc1: {  	[dreg:$0x1] =	wrdreg $0xFFFFFFFF  }
0xc2: {  	_ =	task.clear_ibuf [dreg:s7], $0x2FFFF;
	_ =	strace $0x9FFFFFFF  }
0xc3: {  	(tm) =	ssettm $0x7FFFFFFF  }
tec
execute0_lowered:
.L_overlay_start_1:
0x0: {  	(tag) =	ssettag $0x1  }
0x1: {  	s0 =	rddreg [dreg:$0x0]  }
0x2: {  	s2 =	rddreg [dreg:$0x1]  }
0x3: {  	s3 =	rddreg [dreg:$0x2]  }
0x4: {  	s1 =	srdreg.scid;
	s18 =	stileid.u32  }
0x5: {  	s4 =	simm.s32 $0x0;
	s15 =	simm.s32 $0x7;
	s16 =	simm.s32 $0x58  }
0x6: {  	s17 =	simm.s32 $0x210;
	s28 =	simm.s32 $0x5;
	s29 =	simm.s32 $0x108  }
0x7: {  	s30 =	simm.s32 $0x1;
	s31 =	simm.s32 $0x6;
	s6 =	smul.u32 $0x16800, s18  }
0x8: {  	s1 =	sand.u32 $0x1, s1;
	[smem:$0x7FF] =	sst s4;
	s10 =	smul.u32 $0x4E60, s18  }
0x9: {  	s9 =	sadd.s32 $0x2EC00, s0;
	s26 =	sshll.u32 s18, $0x6;
	s7 =	smul.u32 $0x168000, s1  }
0xa: {  	s5 =	sshll.u32 s1, $0x4;
	_ =	strace $0x80000047;
	[dreg:$0x4] =	wrdreg s9  }
0xb: {  	s21 =	smul.u32 $0x4E600, s1;
	s1 =	ssub.s32 $0x2, s1;
	s19 =	sor.u32 $0x1C07, s26  }
0xc: {  	s26 =	simm.s32 $0x6510;
	s8 =	sor.u32 s18, s5;
	s5 =	sadd.s32 $0x1C00, s0  }
0xd: {  	s11 =	sshrl.u32 s1, $0x1;
	s18 =	simm.s32 $0xB0;
	s7 =	sadd.s32 s6, s7  }
0xe: {  	s8 =	smul.u32 $0x4E60, s8;
	s1 =	ssub.s32 s1, s11;
	s22 =	sadd.s32 s10, s21  }
0xf: {  	s6 =	sadd.s32 s6, s3;
	s21 =	simm.s32 $0x2;
	s7 =	sshrl.u32 s7, $0x3  }
0x10: {  	s23 =	sadd.s32 $0x2C0, s22;
	s1 =	smax.u32 s1, $0x1;
	s24 =	sadd.s32 $0x160, s22  }
0x11: {  	s13 =	sadd.s32 $0x210, s22;
	s20 =	sshrl.u32 s6, $0x3;
	s22 =	simm.s32 $0x3390  }
0x12: {  	s8 =	sshrl.u32 s8, $0x3;
	s0 =	sadd.s32 s7, s0;
	[dreg:$0x7] =	wrdreg s1  }
0x13: {  	s25 =	sshrl.u32 s24, $0x3;
	s24 =	simm.s32 $0x4;
	s1 =	simm.s32 $0x0  }
0x14: {  	s7 =	sadd.s32 s2, s8;
	s0 =	sadd.s32 $0x31A00, s0;
	s14 =	sadd.s32 s25, s2  }
0x15: {  	s25 =	simm.s32 $0x3;
	s8 =	sadd.s32 $0x16, s7;
	[dreg:$0x6] =	wrdreg s0  }
0x16: {  	s0 =	sshrl.u32 s23, $0x3;
	s11 =	sadd.s32 $0x9B6, s7;
	s23 =	simm.s32 $0x160  }
0x17: {  	[dreg:$0x5] =	wrdreg s8;
	s12 =	sadd.s32 s0, s2;
	s0 =	simm.s32 $0x1B8  }
.LBB2_1:
0x18: {  	[tilespmem:s4], [sflag:$0x7] =	stream.linear.gather [hbm4b:s7+s4], $0xB0, $0x38;
	[tilespmem:$0x1FE90] =	vst v63  }
0x19: {  	_ =	swait.ge [sflag:s15], $0xB0  }
0x1a: {  	[sflag:s15] =	ssyncset.done $0x0  }
0x1b: {  	s6 =	rddreg [dreg:$0x5];
	[sflag:s15] =	ssyncadd.s32 $0xFFFFFF50  }
0x1c: {  	[tilespmem:s17], [sflag:$0x4] =	stream.indirect.gather [hbm4b:s5+s16], $0x90, s4, s16, $0xb8;
	[tilespmem:$0x1FE90] =	vst v63  }
0x1d: {  	s8 =	rddreg [dreg:$0x4]  }
0x1e: {  	[tilespmem:s18], [sflag:$0x2] =	stream.linear.gather [hbm4b:s6+s4], $0xB0, $0x38;
	[tilespmem:$0x1FE90] =	vst v63  }
0x1f: {  	[spmem:s20], [sflag:s19] =	dma.local [hbm:s8], $0x2D00  }
0x20: {  	_ =	swait.ge [sflag:s15], $0x2D00  }
0x21: {  	[sflag:s15] =	ssyncset.done $0x0  }
0x22: {  	[sflag:s15] =	ssyncadd.s32 $0xFFFFD300  }
0x23: {  	[bflag:$0x0] =	sbarrier.arrive $0xFFFF  }
0x24: {  	_ =	swait.ge [sflag:s21], $0xB0  }
0x25: {  	[sflag:s21] =	ssyncset.done $0x0  }
0x26: {  	[sflag:s21] =	ssyncadd.s32 $0xFFFFFF50  }
0x27: {  	[tilespmem:s22], [sflag:$0x5] =	stream.indirect.gather [hbm4b:s5+s16], $0x90, s18, s16, $0xb8;
	[tilespmem:$0x1FE90] =	vst v63  }
0x28: {  	s9 =	sadd.s32 $0x0, s14  }
0x29: {  	[tilespmem:s23], [sflag:$0x3] =	stream.linear.gather [hbm4b:s9+s4], $0xB0, $0x38;
	[tilespmem:$0x1FE90] =	vst v63  }
0x2a: {  	_ =	swait.ge [sflag:s24], $0x3180  }
0x2b: {  	[sflag:s24] =	ssyncset.done $0x0  }
0x2c: {  	[sflag:s24] =	ssyncadd.s32 $0xFFFFCE80  }
0x2d: {  	[spmem:s3] =	stream.indirect.scatter.add.f32 [tilespmem:s17], [sflag:$0x7], $0x90, s16, s16, $0xb8;
	[tilespmem:$0x1FE90] =	vst v63  }
0x2e: {  	_ =	swait.ge [sflag:s15], $0x3180  }
0x2f: {  	s10 =	sshrl.u32 s13, $0x3;
	[sflag:s15] =	ssyncset.done $0x0  }
0x30: {  	s6 =	sadd.s32 s2, s10;
	[sflag:s15] =	ssyncadd.s32 $0xFFFFCE80  }
0x31: {  	[tilespmem:s4], [sflag:$0x1] =	stream.linear.gather [hbm4b:s6+s4], $0xB0, $0x38;
	[tilespmem:$0x1FE90] =	vst v63  }
0x32: {  	_ =	swait.ge [sflag:s25], $0xB0  }
0x33: {  	[sflag:s25] =	ssyncset.done $0x0  }
0x34: {  	[sflag:s25] =	ssyncadd.s32 $0xFFFFFF50  }
0x35: {  	[tilespmem:s26], [sflag:$0x6] =	stream.indirect.gather [hbm4b:s5+s16], $0x90, s23, s16, $0xb8;
	[tilespmem:$0x1FE90] =	vst v63  }
0x36: {  	_ =	swait.ge [sflag:s28], $0x3180  }
0x37: {  	[sflag:s28] =	ssyncset.done $0x0  }
0x38: {  	[sflag:s28] =	ssyncadd.s32 $0xFFFFCE80  }
0x39: {  	[spmem:s3] =	stream.indirect.scatter.add.f32 [tilespmem:s22], [sflag:$0x7], $0x90, s29, s16, $0xb8;
	[tilespmem:$0x1FE90] =	vst v63  }
0x3a: {  	_ =	swait.ge [sflag:s15], $0x3180  }
0x3b: {  	[sflag:s15] =	ssyncset.done $0x0  }
0x3c: {  	[sflag:s15] =	ssyncadd.s32 $0xFFFFCE80  }
0x3d: {  	_ =	swait.ge [sflag:s30], $0xB0  }
0x3e: {  	[sflag:s30] =	ssyncset.done $0x0  }
0x3f: {  	[sflag:s30] =	ssyncadd.s32 $0xFFFFFF50  }
0x40: {  	[tilespmem:s17], [sflag:$0x4] =	stream.indirect.gather [hbm4b:s5+s16], $0x90, s4, s16, $0xb8;
	[tilespmem:$0x1FE90] =	vst v63  }
0x41: {  	_ =	swait.ge [sflag:s31], $0x3180  }
0x42: {  	[sflag:s31] =	ssyncset.done $0x0  }
0x43: {  	[sflag:s31] =	ssyncadd.s32 $0xFFFFCE80  }
0x44: {  	[spmem:s3] =	stream.indirect.scatter.add.f32 [tilespmem:s26], [sflag:$0x7], $0x90, s0, s16, $0xb8;
	[tilespmem:$0x1FE90] =	vst v63  }
0x45: {  	_ =	swait.ge [sflag:s15], $0x3180  }
0x46: {  	s8 =	sadd.s32 $0x210, s13;
	[sflag:s15] =	ssyncset.done $0x0  }
0x47: {  	s9 =	sadd.s32 $0x0, s12;
	s6 =	simm.s32 $0x42;
	[sflag:s15] =	ssyncadd.s32 $0xFFFFCE80  }
.LBB2_2:
0x48: {  	[tilespmem:s18], [sflag:$0x2] =	stream.linear.gather [hbm4b:s9+s4], $0xB0, $0x38;
	[tilespmem:$0x1FE90] =	vst v63  }
0x49: {  	s9 =	smov.u32 s6  }
0x4a: {  	p0 =	sne.s32 s6, $0x948;
	s6 =	sadd.s32 $0x42, s6;
	_ =	swait.ge [sflag:s21], $0xB0  }
0x4b: {  	[sflag:s21] =	ssyncset.done $0x0  }
0x4c: {  	[sflag:s21] =	ssyncadd.s32 $0xFFFFFF50  }
0x4d: {  	[tilespmem:s22], [sflag:$0x5] =	stream.indirect.gather [hbm4b:s5+s16], $0x90, s18, s16, $0xb8;
	[tilespmem:$0x1FE90] =	vst v63  }
0x4e: {  	s10 =	sadd.s32 s9, s14  }
0x4f: {  	[tilespmem:s23], [sflag:$0x3] =	stream.linear.gather [hbm4b:s10+s4], $0xB0, $0x38;
	[tilespmem:$0x1FE90] =	vst v63  }
0x50: {  	_ =	swait.ge [sflag:s24], $0x3180  }
0x51: {  	[sflag:s24] =	ssyncset.done $0x0  }
0x52: {  	[sflag:s24] =	ssyncadd.s32 $0xFFFFCE80  }
0x53: {  	[spmem:s3] =	stream.indirect.scatter.add.f32 [tilespmem:s17], [sflag:$0x7], $0x90, s16, s16, $0xb8;
	[tilespmem:$0x1FE90] =	vst v63  }
0x54: {  	_ =	swait.ge [sflag:s15], $0x3180  }
0x55: {  	s10 =	sshrl.u32 s8, $0x3;
	[sflag:s15] =	ssyncset.done $0x0  }
0x56: {  	s10 =	sadd.s32 s2, s10;
	[sflag:s15] =	ssyncadd.s32 $0xFFFFCE80  }
0x57: {  	[tilespmem:s4], [sflag:$0x1] =	stream.linear.gather [hbm4b:s10+s4], $0xB0, $0x38;
	[tilespmem:$0x1FE90] =	vst v63  }
0x58: {  	_ =	swait.ge [sflag:s25], $0xB0  }
0x59: {  	[sflag:s25] =	ssyncset.done $0x0  }
0x5a: {  	[sflag:s25] =	ssyncadd.s32 $0xFFFFFF50  }
0x5b: {  	[tilespmem:s26], [sflag:$0x6] =	stream.indirect.gather [hbm4b:s5+s16], $0x90, s23, s16, $0xb8;
	[tilespmem:$0x1FE90] =	vst v63  }
0x5c: {  	_ =	swait.ge [sflag:s28], $0x3180  }
0x5d: {  	[sflag:s28] =	ssyncset.done $0x0  }
0x5e: {  	[sflag:s28] =	ssyncadd.s32 $0xFFFFCE80  }
0x5f: {  	[spmem:s3] =	stream.indirect.scatter.add.f32 [tilespmem:s22], [sflag:$0x7], $0x90, s29, s16, $0xb8;
	[tilespmem:$0x1FE90] =	vst v63  }
0x60: {  	_ =	swait.ge [sflag:s15], $0x3180  }
0x61: {  	[sflag:s15] =	ssyncset.done $0x0  }
0x62: {  	[sflag:s15] =	ssyncadd.s32 $0xFFFFCE80  }
0x63: {  	_ =	swait.ge [sflag:s30], $0xB0  }
0x64: {  	[sflag:s30] =	ssyncset.done $0x0  }
0x65: {  	[sflag:s30] =	ssyncadd.s32 $0xFFFFFF50  }
0x66: {  	[tilespmem:s17], [sflag:$0x4] =	stream.indirect.gather [hbm4b:s5+s16], $0x90, s4, s16, $0xb8;
	[tilespmem:$0x1FE90] =	vst v63  }
0x67: {  	_ =	swait.ge [sflag:s31], $0x3180  }
0x68: {  	[sflag:s31] =	ssyncset.done $0x0  }
.Ltmp0:
0x69: {  	[sflag:s31] =	ssyncadd.s32 $0xFFFFCE80;
	(pc) =	sbr.rel @p0 .LBB2_2-.Ltmp0, $4  }
0x6a: {  	[spmem:s3] =	stream.indirect.scatter.add.f32 [tilespmem:s26], [sflag:$0x7], $0x90, s0, s16, $0xb8;
	[tilespmem:$0x1FE90] =	vst v63  }
0x6b: {  	_ =	swait.ge [sflag:s15], $0x3180  }
0x6c: {  	[sflag:s15] =	ssyncset.done $0x0  }
0x6d: {  	s9 =	sadd.s32 s9, s12;
	s8 =	sadd.s32 $0x210, s8;
	[sflag:s15] =	ssyncadd.s32 $0xFFFFCE80  }
0x6e: {  	[tilespmem:s18], [sflag:$0x2] =	stream.linear.gather [hbm4b:s9+s4], $0xB0, $0x38;
	[tilespmem:$0x1FE90] =	vst v63  }
0x6f: {  	_ =	swait.ge [sflag:s21], $0xB0  }
0x70: {  	[sflag:s21] =	ssyncset.done $0x0  }
0x71: {  	[sflag:s21] =	ssyncadd.s32 $0xFFFFFF50  }
0x72: {  	[tilespmem:s22], [sflag:$0x5] =	stream.indirect.gather [hbm4b:s5+s16], $0x90, s18, s16, $0xb8;
	[tilespmem:$0x1FE90] =	vst v63  }
0x73: {  	_ = 	snop  }
0x74: {  	[tilespmem:s23], [sflag:$0x3] =	stream.linear.gather [hbm4b:s11+s4], $0xB0, $0x38;
	[tilespmem:$0x1FE90] =	vst v63  }
0x75: {  	_ =	swait.ge [sflag:s24], $0x3180  }
0x76: {  	[sflag:s24] =	ssyncset.done $0x0  }
0x77: {  	[sflag:s24] =	ssyncadd.s32 $0xFFFFCE80  }
0x78: {  	[spmem:s3] =	stream.indirect.scatter.add.f32 [tilespmem:s17], [sflag:$0x7], $0x90, s16, s16, $0xb8;
	[tilespmem:$0x1FE90] =	vst v63  }
0x79: {  	_ =	swait.ge [sflag:s15], $0x3180  }
0x7a: {  	[sflag:s15] =	ssyncset.done $0x0  }
0x7b: {  	[sflag:s15] =	ssyncadd.s32 $0xFFFFCE80  }
0x7c: {  	_ =	swait.ge [sflag:s25], $0xB0  }
0x7d: {  	[sflag:s25] =	ssyncset.done $0x0  }
0x7e: {  	[sflag:s25] =	ssyncadd.s32 $0xFFFFFF50  }
0x7f: {  	[tilespmem:s26], [sflag:$0x6] =	stream.indirect.gather [hbm4b:s5+s16], $0x90, s23, s16, $0xb8;
	[tilespmem:$0x1FE90] =	vst v63  }
0x80: {  	_ =	swait.ge [sflag:s28], $0x3180  }
0x81: {  	[sflag:s28] =	ssyncset.done $0x0  }
0x82: {  	[sflag:s28] =	ssyncadd.s32 $0xFFFFCE80  }
0x83: {  	[spmem:s3] =	stream.indirect.scatter.add.f32 [tilespmem:s22], [sflag:$0x7], $0x90, s29, s16, $0xb8;
	[tilespmem:$0x1FE90] =	vst v63  }
0x84: {  	_ =	swait.ge [sflag:s15], $0x3180  }
0x85: {  	[sflag:s15] =	ssyncset.done $0x0  }
0x86: {  	[sflag:s15] =	ssyncadd.s32 $0xFFFFCE80  }
0x87: {  	_ =	swait.ge [sflag:s31], $0x3180  }
0x88: {  	[sflag:s31] =	ssyncset.done $0x0  }
0x89: {  	[sflag:s31] =	ssyncadd.s32 $0xFFFFCE80  }
0x8a: {  	[spmem:s3] =	stream.indirect.scatter.add.f32 [tilespmem:s26], [sflag:$0x7], $0x90, s0, s16, $0xb8;
	[tilespmem:$0x1FE90] =	vst v63  }
0x8b: {  	_ =	swait.ge [sflag:s15], $0x3180  }
0x8c: {  	[sflag:s15] =	ssyncset.done $0x0  }
0x8d: {  	[sflag:s15] =	ssyncadd.s32 $0xFFFFCE80  }
0x8e: {  	[bflag:$0x0] =	sbarrier.arrive $0xFFFF  }
0x8f: {  	s6 =	rddreg [dreg:$0x6]  }
0x90: {  	[hbm:s6], [sflag:s19] =	dma.local [spmem:s20], $0x2D00  }
0x91: {  	_ =	swait.ge [sflag:s15], $0x2D00  }
0x92: {  	s1 =	sadd.s32 $0x1, s1;
	s10 =	rddreg [dreg:$0x7]  }
0x93: {  	p0 =	sne.s32 s1, s10  }
.Ltmp1:
0x94: {  	_ = 	snop;
	(pc) =	sbr.rel @p0 .LBB2_1-.Ltmp1, $3  }
0x95: {  	_ =	sdelay $0x1  }
0x96: {  	[sflag:s15] =	ssyncset.done $0x0  }
0x97: {  	[sflag:s15] =	ssyncadd.s32 $0xFFFFD300  }
0x98: {  	_ =	sfence.sel $0x180000  }
0x99: {  	[bflag:$0x0] =	sbarrier.arrive $0xFFFF  }
0x9a: {  	_ =	strace $0x90000047  }
0x9b: {  	s0 =	stileid.u32;
	[bflag:$0x2] =	sbarrier.arrive $0xFFFF  }
0x9c: {  	p0 =	sne.s32 s0, $0x0;
	s0 =	rddreg [dreg:$0x3]  }
0x9d: {  	s0 =	sadd.s32 @!p0 $0x100000, s0  }
0x9e: {  	[sflag:s0] =	ssyncadd.tile.s32 @!p0 $0x1;
	_ =	shalt  }
.Lfunc_end2:
_tile_overlayer_lowered:
.L_overlay_start_2:
0x9f: {  	(tag) =	ssettag $0x2  }
0xa0: {  	s0 =	rddreg [dreg:$0x0];
	s2 =	stileid.u32  }
0xa1: {  	s1 =	rddreg [dreg:$0x1];
	p0 =	sne.s32 s2, $0x0  }
0xa2: {  	s3 =	rddreg [dreg:$0x2];
	[bflag:$0x3] =	sbarrier.arrive $0xFFFF;
	s2 =	simm.s32 @!p0 $0x1C07  }
0xa3: {  	[timem:s3], [sflag:s2] =	dma.local @!p0 [hbm:s0], s1  }
0xa4: {  	s0 =	simm.s32 @!p0 $0x7  }
0xa5: {  	_ =	swait.ge @!p0 [sflag:s0], s1  }
0xa6: {  	s1 =	ssub.s32 @!p0 $0x0, s1;
	[sflag:s0] =	ssyncset.done @!p0 $0x0  }
0xa7: {  	[sflag:s0] =	ssyncadd.s32 @!p0 s1  }
0xa8: {  	[bflag:$0x3] =	sbarrier.arrive $0xFFFF  }
0xa9: {  	_ =	shalt  }

</sc_bundles>
